<compile_context>
chip_gen: v7x
topology: tpu7x:2x2x1
jax: 0.10.2.dev20260603
libtpu: 0.0.44.dev20260713+nightly
codegen_flags: <defaults>
</compile_context>

<pallas_src>
import functools

import jax
import jax.numpy as jnp
from jax import lax
from jax.experimental import pallas as pl
from jax.experimental.pallas import tpu as pltpu
from jax.experimental.pallas import tpu_sc as plsc

N = 10000
E = 320000
D = 128
DH = D // 2

NC = 2
NS = 16
NW = NC * NS
CHUNK = 128
K = 160
E_PAD = NS * K * CHUNK
EPT = E_PAD // NW
N_PAD = 10112
RPT = N_PAD // NS
SETLEN = 2

BLK = 400
GRID = N // BLK

@functools.cache
def _build_hist():
    mesh = plsc.VectorSubcoreMesh(core_axis_name="c", subcore_axis_name="s")
    return functools.partial(
        pl.kernel,
        mesh=mesh,
        out_type=jax.ShapeDtypeStruct((NW, 1, N_PAD), jnp.float32),
        scratch_types=[
            pltpu.VMEM((EPT,), jnp.int32),
            pltpu.VMEM((N_PAD,), jnp.float32),
        ],
        compiler_params=pltpu.CompilerParams(needs_layout_passes=False),
    )(_hist_body)


def _hist_body(dst_hbm, out_hbm, dstv, hist):
    wid = lax.axis_index("c") * NS + lax.axis_index("s")
    pltpu.sync_copy(dst_hbm.at[pl.ds(wid * EPT, EPT)], dstv)

    def _zero(i, carry):
        hist[pl.ds(i * 16, 16)] = jnp.zeros((16,), jnp.float32)
        return carry

    lax.fori_loop(0, N_PAD // 16, _zero, 0)

    ones = jnp.full((16,), 1.0, jnp.float32)

    def _count(i, carry):
        idx = dstv[pl.ds(i * 16, 16)]
        plsc.addupdate_scatter(hist, [idx], ones)
        return carry

    lax.fori_loop(0, EPT // 16, _count, 0)
    pltpu.sync_copy(hist, out_hbm.at[wid, 0])


@functools.cache
def _build_scatter():
    mesh = plsc.VectorSubcoreMesh(core_axis_name="c", subcore_axis_name="s")
    return functools.partial(
        pl.kernel,
        mesh=mesh,
        out_type=jax.ShapeDtypeStruct((NC, N_PAD, DH), jnp.float32),
        scratch_types=[
            pltpu.VMEM((K, CHUNK), jnp.int32),
            pltpu.VMEM((K, CHUNK), jnp.int32),
            pltpu.VMEM((2, SETLEN * CHUNK, DH), jnp.float32),
            pltpu.VMEM_SHARED((N_PAD, DH), jnp.float32),
        ] + [pltpu.SemaphoreType.DMA] * 2,
        compiler_params=pltpu.CompilerParams(use_tc_tiling_on_sc=False),
    )(_scatter_body)


def _scatter_body(h_hbm, src_hbm, dst_hbm, zeros_hbm, out_hbm,
                  srcv, dstv, rows, acc, *sems):
    c = lax.axis_index("c")
    s = lax.axis_index("s")
    table = h_hbm.at[c]
    rbase = s * K
    pltpu.sync_copy(src_hbm.at[pl.ds(rbase, K)], srcv)
    pltpu.sync_copy(dst_hbm.at[pl.ds(rbase, K)], dstv)

    def _fire(g, p):
        for i in range(SETLEN):
            j = g * SETLEN + i
            pltpu.async_copy(table.at[srcv.at[j]],
                             rows.at[p, pl.ds(i * CHUNK, CHUNK)], sems[p])

    _fire(0, 0)
    _fire(1, 1)
    pltpu.sync_copy(zeros_hbm.at[pl.ds(s * RPT, RPT)],
                    acc.at[pl.ds(s * RPT, RPT)])
    plsc.subcore_barrier()

    NG = K // SETLEN

    def _step(g, p):
        pltpu.make_async_copy(table.at[pl.ds(0, SETLEN * CHUNK)],
                              rows.at[p], sems[p]).wait()
        for i in range(SETLEN):
            j = g * SETLEN + i
            pltpu.sync_copy(rows.at[p, pl.ds(i * CHUNK, CHUNK)],
                            acc.at[dstv.at[j]], add=True)

        @pl.when(g + 2 < NG)
        def _():
            _fire(g + 2, p)

    def _pair(gg, carry):
        _step(gg * 2, 0)
        _step(gg * 2 + 1, 1)
        return carry

    lax.fori_loop(0, NG // 2, _pair, 0)
    plsc.subcore_barrier()
    pltpu.sync_copy(acc.at[pl.ds(s * RPT, RPT)],
                    out_hbm.at[c, pl.ds(s * RPT, RPT)])


def _dinv_from_partials(pd):
    deg = jnp.sum(pd, axis=1) + 1.0
    return lax.rsqrt(deg)


def _split_store(out_ref, h):
    out_ref[0, :, :] = h[:, :DH]
    out_ref[1, :, :] = h[:, DH:]


def _combine(acc_ref, h_ref):
    lo = acc_ref[0] + h_ref[0]
    hi = acc_ref[1] + h_ref[1]
    return jnp.concatenate([lo, hi], axis=-1)


def _tc1_body(x_ref, w1t_ref, pd_ref, out_ref):
    dinv = _dinv_from_partials(pd_ref[...])
    h = jnp.dot(x_ref[...], w1t_ref[...], preferred_element_type=jnp.float32)
    _split_store(out_ref, h * dinv[:, None])


def _tc2_body(acc_ref, h1_ref, pd_ref, b1_ref, lnw_ref, lnb_ref, a_ref,
              w2t_ref, out_ref):
    dinv = _dinv_from_partials(pd_ref[...])
    h1 = dinv[:, None] * _combine(acc_ref, h1_ref) + b1_ref[...]
    mu = jnp.mean(h1, axis=-1, keepdims=True)
    xc = h1 - mu
    var = jnp.mean(xc * xc, axis=-1, keepdims=True)
    g = xc * lax.rsqrt(var + 1e-5) * lnw_ref[...] + lnb_ref[...]
    g = jnp.where(g >= 0.0, g, a_ref[0, 0] * g)
    h2 = jnp.dot(g, w2t_ref[...], preferred_element_type=jnp.float32)
    _split_store(out_ref, h2 * dinv[:, None])


def _tc3_body(acc_ref, h2_ref, pd_ref, b2_ref, out_ref):
    dinv = _dinv_from_partials(pd_ref[...])
    out_ref[...] = dinv[:, None] * _combine(acc_ref, h2_ref) + b2_ref[...]


def _row_spec():
    return pl.BlockSpec((BLK, D), lambda i: (i, 0))


def _split_spec():
    return pl.BlockSpec((NC, BLK, DH), lambda i: (0, i, 0))


def _pd_spec():
    return pl.BlockSpec((BLK, NW), lambda i: (i, 0))


def _full_spec(shape):
    nd = len(shape)
    return pl.BlockSpec(shape, lambda i: (0,) * nd)


def _tc1(x, w1t, pd):
    return pl.pallas_call(
        _tc1_body,
        grid=(GRID,),
        in_specs=[_row_spec(), _full_spec((D, D)), _pd_spec()],
        out_specs=_split_spec(),
        out_shape=jax.ShapeDtypeStruct((NC, N_PAD, DH), jnp.float32),
    )(x, w1t, pd)


def _tc2(acc, h1, pd, b1, lnw, lnb, a, w2t):
    return pl.pallas_call(
        _tc2_body,
        grid=(GRID,),
        in_specs=[
            _split_spec(), _split_spec(), _pd_spec(),
            _full_spec((1, D)), _full_spec((1, D)), _full_spec((1, D)),
            _full_spec((1, 1)), _full_spec((D, D)),
        ],
        out_specs=_split_spec(),
        out_shape=jax.ShapeDtypeStruct((NC, N_PAD, DH), jnp.float32),
    )(acc, h1, pd, b1, lnw, lnb, a, w2t)


def _tc3(acc, h2, pd, b2):
    return pl.pallas_call(
        _tc3_body,
        grid=(GRID,),
        in_specs=[
            _split_spec(), _split_spec(), _pd_spec(), _full_spec((1, D)),
        ],
        out_specs=_row_spec(),
        out_shape=jax.ShapeDtypeStruct((N, D), jnp.float32),
    )(acc, h2, pd, b2)


def kernel(x, edge_index, W1, b1, ln_w, ln_b, prelu_a, W2, b2):
    src = edge_index[0]
    dst = edge_index[1]
    pad = jnp.full((E_PAD - E,), N, jnp.int32)
    src2 = jnp.concatenate([src, pad]).reshape(NS * K, CHUNK)
    dst_p = jnp.concatenate([dst, pad])
    dst2 = dst_p.reshape(NS * K, CHUNK)

    partials = _build_hist()(dst_p)
    partials = partials.reshape(NW, N_PAD).T

    zeros = jnp.zeros((N_PAD, DH), jnp.float32)
    b1r = b1.reshape(1, D)
    b2r = b2.reshape(1, D)
    lnwr = ln_w.reshape(1, D)
    lnbr = ln_b.reshape(1, D)
    ar = prelu_a.reshape(1, 1)

    scatter = _build_scatter()
    h1 = _tc1(x, W1.T, partials)
    acc1 = scatter(h1, src2, dst2, zeros)
    h2 = _tc2(acc1, h1, partials, b1r, lnwr, lnbr, ar, W2.T)
    acc2 = scatter(h2, src2, dst2, zeros)
    out = _tc3(acc2, h2, partials, b2r)
    return out

# --- scband reference (transcript-rebuilt; emitter-appended) ---
"""Pipeline reference for scband-gcnblock-8126078124212 (READ-ONLY COPY).

The authoritative reference and input builder live on the scoring server;
editing this copy changes nothing except your own understanding.
"""

import jax, jax.numpy as jnp
import numpy as np

N = 10000
E = 320000
D_IN = 128
D_HID = 128
D_OUT = 128


def setup_inputs(seed: int = 0) -> dict:
    key = jax.random.key(seed)
    ks = jax.random.split(key, 10)
    x = jax.random.normal(ks[0], (N, D_IN), dtype=jnp.float32)
    edge_index = jax.random.randint(ks[1], (2, E), 0, N, dtype=jnp.int32)
    s1 = (6.0 / (D_IN + D_HID)) ** 0.5
    s2 = (6.0 / (D_HID + D_OUT)) ** 0.5
    W1 = jax.random.uniform(ks[2], (D_HID, D_IN), dtype=jnp.float32, minval=-s1, maxval=s1)
    b1 = jnp.zeros((D_HID,), dtype=jnp.float32)
    ln_w = jnp.ones((D_HID,), dtype=jnp.float32)
    ln_b = jnp.zeros((D_HID,), dtype=jnp.float32)
    prelu_a = jnp.asarray(0.25, dtype=jnp.float32)
    W2 = jax.random.uniform(ks[3], (D_OUT, D_HID), dtype=jnp.float32, minval=-s2, maxval=s2)
    b2 = jnp.zeros((D_OUT,), dtype=jnp.float32)
    return {"x": x, "edge_index": edge_index, "W1": W1, "b1": b1, "ln_w": ln_w, "ln_b": ln_b, "prelu_a": prelu_a, "W2": W2, "b2": b2}


def gcn_conv(x, edge_index, W, b):
    # PyG-style GCNConv: h = x @ W^T, add self-loops, symmetric normalization, scatter-add, + bias
    src = edge_index[0]
    dst = edge_index[1]
    loop = jnp.arange(N, dtype=edge_index.dtype)
    src = jnp.concatenate([src, loop])
    dst = jnp.concatenate([dst, loop])
    ones = jnp.ones(src.shape[0], dtype=x.dtype)
    deg = jnp.zeros((N,), dtype=x.dtype).at[dst].add(ones)
    deg_inv_sqrt = jnp.where(deg > 0, jax.lax.rsqrt(jnp.maximum(deg, 1e-12)), 0.0)
    norm = deg_inv_sqrt[src] * deg_inv_sqrt[dst]
    h = x @ W.T
    msg = jnp.take(h, src, axis=0) * norm[:, None]
    out = jnp.zeros((N, W.shape[0]), dtype=x.dtype).at[dst].add(msg)
    return out + b


def layer_norm(x, w, b, eps=1e-5):
    mu = jnp.mean(x, axis=-1, keepdims=True)
    var = jnp.var(x, axis=-1, keepdims=True)
    return (x - mu) * jax.lax.rsqrt(var + eps) * w + b


def prelu(x, a):
    return jnp.where(x >= 0, x, a * x)


def reference(x, edge_index, W1, b1, ln_w, ln_b, prelu_a, W2, b2):
    h = gcn_conv(x, edge_index, W1, b1)
    h = layer_norm(h, ln_w, ln_b)
    h = prelu(h, prelu_a)
    out = gcn_conv(h, edge_index, W2, b2)
    return out

if __name__ == "__main__":
    import jax
    _d = setup_inputs()
    print(jax.jit(kernel)(*tuple(_d.values())))

</pallas_src>

<mosaic_0001>
#map = affine_map<(d0, d1) -> (0)>
#map1 = affine_map<(d0, d1) -> (0, 0, 0)>
module attributes {stable_mosaic.version = 14 : i64} {
  func.func @_hist_body(%arg0: i32, %arg1: i32, %arg2: memref<327680xi32, #tpu.memory_space<hbm>>, %arg3: memref<32x1x10112xf32, #tpu.memory_space<hbm>>, %arg4: memref<10240xi32, #tpu.memory_space<vmem>>, %arg5: memref<10112xf32, #tpu.memory_space<vmem>>) attributes {dimension_semantics = [#tpu.dimension_semantics<core_parallel>, #tpu.dimension_semantics<subcore_parallel>], iteration_bounds = array<i64: 2, 16>, scalar_prefetch = 0 : i64, scratch_operands = 2 : i64, tpu.core_type = #tpu.core_type<sc_vector_subcore>, window_params = [{transform_indices = #map}, {transform_indices = #map1}]} {
    %mul3A = arith.constant 16 : i32
    %mul3A_0 = arith.muli %arg0, %mul3A : i32
    %add3A = arith.addi %mul3A_0, %arg1 : i32
    %mul3A_1 = arith.constant 10240 : i32
    %mul3A_2 = arith.muli %add3A, %mul3A_1 : i32
    "tpu.region"() ({
      %run_scoped3A_15 = tpu.sem_alloc : memref<!tpu.dma_semaphore, #tpu.memory_space<semaphore_mem>>
      %dma_start3A = tpu.memref_slice %arg2[%mul3A_2] : memref<327680xi32, #tpu.memory_space<hbm>> -> memref<10240xi32, #tpu.memory_space<hbm>>
      %dma_start3A_16 = tpu.memref_slice %arg2[%mul3A_2] : memref<327680xi32, #tpu.memory_space<hbm>> -> memref<10240xi32, #tpu.memory_space<hbm>>
      tpu.enqueue_dma source(%dma_start3A_16 : memref<10240xi32, #tpu.memory_space<hbm>>) target(%arg4 : memref<10240xi32, #tpu.memory_space<vmem>>) target_semaphore(%run_scoped3A_15 : memref<!tpu.dma_semaphore, #tpu.memory_space<semaphore_mem>>)
      %dma_wait3A = tpu.memref_slice %arg2[%mul3A_2] : memref<327680xi32, #tpu.memory_space<hbm>> -> memref<10240xi32, #tpu.memory_space<hbm>>
      %dma_wait3A_17 = tpu.memref_slice %arg2[%mul3A_2] : memref<327680xi32, #tpu.memory_space<hbm>> -> memref<10240xi32, #tpu.memory_space<hbm>>
      tpu.wait_dma2 semaphore(%run_scoped3A_15 : memref<!tpu.dma_semaphore, #tpu.memory_space<semaphore_mem>>) src(%dma_wait3A_17 : memref<10240xi32, #tpu.memory_space<hbm>>) dst(%arg4 : memref<10240xi32, #tpu.memory_space<vmem>>)
      tpu.yield
    }) : () -> ()
    %scan3A = arith.constant 0 : i32
    %scan3A_3 = arith.constant 0 : i32
    %scan3A_4 = arith.constant 632 : i32
    %scan3A_5 = arith.addi %scan3A_3, %scan3A_4 : i32
    %scan3A_6 = arith.constant 1 : i32
    scf.for %scan3A_15 = %scan3A_3 to %scan3A_5 step %scan3A_6  : i32 {
      %broadcast_in_dim3A_16 = arith.constant 0.000000e+00 : f32
      %broadcast_in_dim3A_17 = vector.broadcast %broadcast_in_dim3A_16 : f32 to vector<16xf32>
      %mul3A_18 = arith.constant 16 : i32
      %mul3A_19 = arith.muli %scan3A_15, %mul3A_18 : i32
      %swap3A = arith.index_cast %mul3A_19 : i32 to index
      %swap3A_20 = tpu.vector_load %arg5[%swap3A] {strides = array<i32>} : memref<10112xf32, #tpu.memory_space<vmem>>, vector<16xf32>,
      tpu.vector_store %arg5[%swap3A], %broadcast_in_dim3A_17 {strides = array<i32>} : memref<10112xf32, #tpu.memory_space<vmem>>, vector<16xf32>,
    }
    %scan3A_7 = arith.constant 632 : i32
    %broadcast_in_dim3A = arith.constant 1.000000e+00 : f32
    %broadcast_in_dim3A_8 = vector.broadcast %broadcast_in_dim3A : f32 to vector<16xf32>
    %scan3A_9 = arith.constant 0 : i32
    %scan3A_10 = arith.constant 0 : i32
    %scan3A_11 = arith.constant 640 : i32
    %scan3A_12 = arith.addi %scan3A_10, %scan3A_11 : i32
    %scan3A_13 = arith.constant 1 : i32
    scf.for %scan3A_15 = %scan3A_10 to %scan3A_12 step %scan3A_13  : i32 {
      %mul3A_16 = arith.constant 16 : i32
      %mul3A_17 = arith.muli %scan3A_15, %mul3A_16 : i32
      %get3A = arith.index_cast %mul3A_17 : i32 to index
      %get3A_18 = tpu.vector_load %arg4[%get3A] {strides = array<i32>} : memref<10240xi32, #tpu.memory_space<vmem>>, vector<16xi32>,
      tpu.vector_store_idx %arg5[%get3A_18], %broadcast_in_dim3A_8 {add = true} : memref<10112xf32, #tpu.memory_space<vmem>>[vector<16xi32>], vector<16xf32>,
    }
    %scan3A_14 = arith.constant 640 : i32
    %run_scoped3A = arith.constant 0 : i32
    "tpu.region"() ({
      %run_scoped3A_15 = tpu.sem_alloc : memref<!tpu.dma_semaphore, #tpu.memory_space<semaphore_mem>>
      %dma_start3A = arith.constant 0 : i32
      %dma_start3A_16 = tpu.memref_slice %arg3[%add3A, %run_scoped3A, %dma_start3A] : memref<32x1x10112xf32, #tpu.memory_space<hbm>> -> memref<1x1x10112xf32, #tpu.memory_space<hbm>>
      %dma_start3A_17 = tpu.memref_squeeze %dma_start3A_16 : memref<1x1x10112xf32, #tpu.memory_space<hbm>> -> memref<10112xf32, #tpu.memory_space<hbm>>
      %dma_start3A_18 = arith.constant 0 : i32
      %dma_start3A_19 = tpu.memref_slice %arg3[%add3A, %run_scoped3A, %dma_start3A_18] : memref<32x1x10112xf32, #tpu.memory_space<hbm>> -> memref<1x1x10112xf32, #tpu.memory_space<hbm>>
      %dma_start3A_20 = tpu.memref_squeeze %dma_start3A_19 : memref<1x1x10112xf32, #tpu.memory_space<hbm>> -> memref<10112xf32, #tpu.memory_space<hbm>>
      tpu.enqueue_dma source(%arg5 : memref<10112xf32, #tpu.memory_space<vmem>>) target(%dma_start3A_20 : memref<10112xf32, #tpu.memory_space<hbm>>) target_semaphore(%run_scoped3A_15 : memref<!tpu.dma_semaphore, #tpu.memory_space<semaphore_mem>>)
      %dma_wait3A = arith.constant 0 : i32
      %dma_wait3A_21 = tpu.memref_slice %arg3[%add3A, %run_scoped3A, %dma_wait3A] : memref<32x1x10112xf32, #tpu.memory_space<hbm>> -> memref<1x1x10112xf32, #tpu.memory_space<hbm>>
      %dma_wait3A_22 = tpu.memref_squeeze %dma_wait3A_21 : memref<1x1x10112xf32, #tpu.memory_space<hbm>> -> memref<10112xf32, #tpu.memory_space<hbm>>
      %dma_wait3A_23 = arith.constant 0 : i32
      %dma_wait3A_24 = tpu.memref_slice %arg3[%add3A, %run_scoped3A, %dma_wait3A_23] : memref<32x1x10112xf32, #tpu.memory_space<hbm>> -> memref<1x1x10112xf32, #tpu.memory_space<hbm>>
      %dma_wait3A_25 = tpu.memref_squeeze %dma_wait3A_24 : memref<1x1x10112xf32, #tpu.memory_space<hbm>> -> memref<10112xf32, #tpu.memory_space<hbm>>
      tpu.wait_dma2 semaphore(%run_scoped3A_15 : memref<!tpu.dma_semaphore, #tpu.memory_space<semaphore_mem>>) src(%arg5 : memref<10112xf32, #tpu.memory_space<vmem>>) dst(%dma_wait3A_25 : memref<10112xf32, #tpu.memory_space<hbm>>)
      tpu.yield
    }) : () -> ()
    return
  }
}

#map = affine_map<(d0, d1) -> (0, 0, 0)>
#map1 = affine_map<(d0, d1) -> (0, 0)>
module attributes {stable_mosaic.version = 14 : i64} {
  func.func @_scatter_body(%arg0: i32, %arg1: i32, %arg2: memref<2x10112x64xf32, #tpu.memory_space<hbm>>, %arg3: memref<2560x128xi32, #tpu.memory_space<hbm>>, %arg4: memref<2560x128xi32, #tpu.memory_space<hbm>>, %arg5: memref<10112x64xf32, #tpu.memory_space<hbm>>, %arg6: memref<2x10112x64xf32, #tpu.memory_space<hbm>>, %arg7: memref<160x128xi32, #tpu.memory_space<vmem>>, %arg8: memref<160x128xi32, #tpu.memory_space<vmem>>, %arg9: memref<2x256x64xf32, #tpu.memory_space<vmem>>, %arg10: memref<10112x64xf32, #tpu.memory_space<vmem_shared>>, %arg11: memref<!tpu.dma_semaphore, #tpu.memory_space<semaphore_mem>>, %arg12: memref<!tpu.dma_semaphore, #tpu.memory_space<semaphore_mem>>) attributes {dimension_semantics = [#tpu.dimension_semantics<core_parallel>, #tpu.dimension_semantics<subcore_parallel>], iteration_bounds = array<i64: 2, 16>, scalar_prefetch = 0 : i64, scratch_operands = 6 : i64, tpu.core_type = #tpu.core_type<sc_vector_subcore>, window_params = [{transform_indices = #map}, {transform_indices = #map1}, {transform_indices = #map1}, {transform_indices = #map1}, {transform_indices = #map}]} {
    %mul3A = arith.constant 160 : i32
    %mul3A_0 = arith.muli %arg1, %mul3A : i32
    "tpu.region"() ({
      %run_scoped3A = tpu.sem_alloc : memref<!tpu.dma_semaphore, #tpu.memory_space<semaphore_mem>>
      %dma_start3A_78 = arith.constant 0 : i32
      %dma_start3A_79 = tpu.memref_slice %arg3[%mul3A_0, %dma_start3A_78] : memref<2560x128xi32, #tpu.memory_space<hbm>> -> memref<160x128xi32, #tpu.memory_space<hbm>>
      %dma_start3A_80 = arith.constant 0 : i32
      %dma_start3A_81 = tpu.memref_slice %arg3[%mul3A_0, %dma_start3A_80] : memref<2560x128xi32, #tpu.memory_space<hbm>> -> memref<160x128xi32, #tpu.memory_space<hbm>>
      tpu.enqueue_dma source(%dma_start3A_81 : memref<160x128xi32, #tpu.memory_space<hbm>>) target(%arg7 : memref<160x128xi32, #tpu.memory_space<vmem>>) target_semaphore(%run_scoped3A : memref<!tpu.dma_semaphore, #tpu.memory_space<semaphore_mem>>)
      %dma_wait3A = arith.constant 0 : i32
      %dma_wait3A_82 = tpu.memref_slice %arg3[%mul3A_0, %dma_wait3A] : memref<2560x128xi32, #tpu.memory_space<hbm>> -> memref<160x128xi32, #tpu.memory_space<hbm>>
      %dma_wait3A_83 = arith.constant 0 : i32
      %dma_wait3A_84 = tpu.memref_slice %arg3[%mul3A_0, %dma_wait3A_83] : memref<2560x128xi32, #tpu.memory_space<hbm>> -> memref<160x128xi32, #tpu.memory_space<hbm>>
      tpu.wait_dma2 semaphore(%run_scoped3A : memref<!tpu.dma_semaphore, #tpu.memory_space<semaphore_mem>>) src(%dma_wait3A_84 : memref<160x128xi32, #tpu.memory_space<hbm>>) dst(%arg7 : memref<160x128xi32, #tpu.memory_space<vmem>>)
      tpu.yield
    }) : () -> ()
    "tpu.region"() ({
      %run_scoped3A = tpu.sem_alloc : memref<!tpu.dma_semaphore, #tpu.memory_space<semaphore_mem>>
      %dma_start3A_78 = arith.constant 0 : i32
      %dma_start3A_79 = tpu.memref_slice %arg4[%mul3A_0, %dma_start3A_78] : memref<2560x128xi32, #tpu.memory_space<hbm>> -> memref<160x128xi32, #tpu.memory_space<hbm>>
      %dma_start3A_80 = arith.constant 0 : i32
      %dma_start3A_81 = tpu.memref_slice %arg4[%mul3A_0, %dma_start3A_80] : memref<2560x128xi32, #tpu.memory_space<hbm>> -> memref<160x128xi32, #tpu.memory_space<hbm>>
      tpu.enqueue_dma source(%dma_start3A_81 : memref<160x128xi32, #tpu.memory_space<hbm>>) target(%arg8 : memref<160x128xi32, #tpu.memory_space<vmem>>) target_semaphore(%run_scoped3A : memref<!tpu.dma_semaphore, #tpu.memory_space<semaphore_mem>>)
      %dma_wait3A = arith.constant 0 : i32
      %dma_wait3A_82 = tpu.memref_slice %arg4[%mul3A_0, %dma_wait3A] : memref<2560x128xi32, #tpu.memory_space<hbm>> -> memref<160x128xi32, #tpu.memory_space<hbm>>
      %dma_wait3A_83 = arith.constant 0 : i32
      %dma_wait3A_84 = tpu.memref_slice %arg4[%mul3A_0, %dma_wait3A_83] : memref<2560x128xi32, #tpu.memory_space<hbm>> -> memref<160x128xi32, #tpu.memory_space<hbm>>
      tpu.wait_dma2 semaphore(%run_scoped3A : memref<!tpu.dma_semaphore, #tpu.memory_space<semaphore_mem>>) src(%dma_wait3A_84 : memref<160x128xi32, #tpu.memory_space<hbm>>) dst(%arg8 : memref<160x128xi32, #tpu.memory_space<vmem>>)
      tpu.yield
    }) : () -> ()
    %dma_start3A = arith.constant 0 : i32
    %dma_start3A_1 = arith.constant 0 : i32
    %dma_start3A_2 = arith.constant 0 : i32
    %dma_start3A_3 = arith.constant 0 : i32
    %dma_start3A_4 = tpu.memref_slice %arg9[%dma_start3A_1, %dma_start3A_2, %dma_start3A_3] : memref<2x256x64xf32, #tpu.memory_space<vmem>> -> memref<1x128x64xf32, #tpu.memory_space<vmem>>
    %dma_start3A_5 = tpu.memref_squeeze %dma_start3A_4 : memref<1x128x64xf32, #tpu.memory_space<vmem>> -> memref<128x64xf32, #tpu.memory_space<vmem>>
    %dma_start3A_6 = arith.constant 0 : i32
    %dma_start3A_7 = tpu.memref_slice %arg7[%dma_start3A, %dma_start3A_6] : memref<160x128xi32, #tpu.memory_space<vmem>> -> memref<1x128xi32, #tpu.memory_space<vmem>>
    %dma_start3A_8 = tpu.memref_squeeze %dma_start3A_7 : memref<1x128xi32, #tpu.memory_space<vmem>> -> memref<128xi32, #tpu.memory_space<vmem>>
    %dma_start3A_9 = arith.constant 0 : i32
    %dma_start3A_10 = arith.constant 0 : i32
    %dma_start3A_11 = tpu.memref_slice %arg2[%arg0, %dma_start3A_9, %dma_start3A_10] : memref<2x10112x64xf32, #tpu.memory_space<hbm>> -> memref<1x10112x64xf32, #tpu.memory_space<hbm>>
    %dma_start3A_12 = tpu.memref_squeeze %dma_start3A_11 : memref<1x10112x64xf32, #tpu.memory_space<hbm>> -> memref<10112x64xf32, #tpu.memory_space<hbm>>
    %dma_start3A_13 = arith.constant 0 : i32
    %dma_start3A_14 = arith.constant 0 : i32
    %dma_start3A_15 = tpu.memref_slice %dma_start3A_12[%dma_start3A_13, %dma_start3A_14] : memref<10112x64xf32, #tpu.memory_space<hbm>> -> memref<10112x64xf32, #tpu.memory_space<hbm>>
    tpu.enqueue_indirect_dma source(%dma_start3A_15 : memref<10112x64xf32, #tpu.memory_space<hbm>>) target(%dma_start3A_5 : memref<128x64xf32, #tpu.memory_space<vmem>>) offsets(%dma_start3A_8 : memref<128xi32, #tpu.memory_space<vmem>>) semaphore(%arg11 : memref<!tpu.dma_semaphore, #tpu.memory_space<semaphore_mem>>)
    %dma_start3A_16 = arith.constant 1 : i32
    %dma_start3A_17 = arith.constant 0 : i32
    %dma_start3A_18 = arith.constant 128 : i32
    %dma_start3A_19 = arith.constant 0 : i32
    %dma_start3A_20 = tpu.memref_slice %arg9[%dma_start3A_17, %dma_start3A_18, %dma_start3A_19] : memref<2x256x64xf32, #tpu.memory_space<vmem>> -> memref<1x128x64xf32, #tpu.memory_space<vmem>>
    %dma_start3A_21 = tpu.memref_squeeze %dma_start3A_20 : memref<1x128x64xf32, #tpu.memory_space<vmem>> -> memref<128x64xf32, #tpu.memory_space<vmem>>
    %dma_start3A_22 = arith.constant 0 : i32
    %dma_start3A_23 = tpu.memref_slice %arg7[%dma_start3A_16, %dma_start3A_22] : memref<160x128xi32, #tpu.memory_space<vmem>> -> memref<1x128xi32, #tpu.memory_space<vmem>>
    %dma_start3A_24 = tpu.memref_squeeze %dma_start3A_23 : memref<1x128xi32, #tpu.memory_space<vmem>> -> memref<128xi32, #tpu.memory_space<vmem>>
    %dma_start3A_25 = arith.constant 0 : i32
    %dma_start3A_26 = arith.constant 0 : i32
    %dma_start3A_27 = tpu.memref_slice %arg2[%arg0, %dma_start3A_25, %dma_start3A_26] : memref<2x10112x64xf32, #tpu.memory_space<hbm>> -> memref<1x10112x64xf32, #tpu.memory_space<hbm>>
    %dma_start3A_28 = tpu.memref_squeeze %dma_start3A_27 : memref<1x10112x64xf32, #tpu.memory_space<hbm>> -> memref<10112x64xf32, #tpu.memory_space<hbm>>
    %dma_start3A_29 = arith.constant 0 : i32
    %dma_start3A_30 = arith.constant 0 : i32
    %dma_start3A_31 = tpu.memref_slice %dma_start3A_28[%dma_start3A_29, %dma_start3A_30] : memref<10112x64xf32, #tpu.memory_space<hbm>> -> memref<10112x64xf32, #tpu.memory_space<hbm>>
    tpu.enqueue_indirect_dma source(%dma_start3A_31 : memref<10112x64xf32, #tpu.memory_space<hbm>>) target(%dma_start3A_21 : memref<128x64xf32, #tpu.memory_space<vmem>>) offsets(%dma_start3A_24 : memref<128xi32, #tpu.memory_space<vmem>>) semaphore(%arg11 : memref<!tpu.dma_semaphore, #tpu.memory_space<semaphore_mem>>)
    %dma_start3A_32 = arith.constant 2 : i32
    %dma_start3A_33 = arith.constant 1 : i32
    %dma_start3A_34 = arith.constant 0 : i32
    %dma_start3A_35 = arith.constant 0 : i32
    %dma_start3A_36 = tpu.memref_slice %arg9[%dma_start3A_33, %dma_start3A_34, %dma_start3A_35] : memref<2x256x64xf32, #tpu.memory_space<vmem>> -> memref<1x128x64xf32, #tpu.memory_space<vmem>>
    %dma_start3A_37 = tpu.memref_squeeze %dma_start3A_36 : memref<1x128x64xf32, #tpu.memory_space<vmem>> -> memref<128x64xf32, #tpu.memory_space<vmem>>
    %dma_start3A_38 = arith.constant 0 : i32
    %dma_start3A_39 = tpu.memref_slice %arg7[%dma_start3A_32, %dma_start3A_38] : memref<160x128xi32, #tpu.memory_space<vmem>> -> memref<1x128xi32, #tpu.memory_space<vmem>>
    %dma_start3A_40 = tpu.memref_squeeze %dma_start3A_39 : memref<1x128xi32, #tpu.memory_space<vmem>> -> memref<128xi32, #tpu.memory_space<vmem>>
    %dma_start3A_41 = arith.constant 0 : i32
    %dma_start3A_42 = arith.constant 0 : i32
    %dma_start3A_43 = tpu.memref_slice %arg2[%arg0, %dma_start3A_41, %dma_start3A_42] : memref<2x10112x64xf32, #tpu.memory_space<hbm>> -> memref<1x10112x64xf32, #tpu.memory_space<hbm>>
    %dma_start3A_44 = tpu.memref_squeeze %dma_start3A_43 : memref<1x10112x64xf32, #tpu.memory_space<hbm>> -> memref<10112x64xf32, #tpu.memory_space<hbm>>
    %dma_start3A_45 = arith.constant 0 : i32
    %dma_start3A_46 = arith.constant 0 : i32
    %dma_start3A_47 = tpu.memref_slice %dma_start3A_44[%dma_start3A_45, %dma_start3A_46] : memref<10112x64xf32, #tpu.memory_space<hbm>> -> memref<10112x64xf32, #tpu.memory_space<hbm>>
    tpu.enqueue_indirect_dma source(%dma_start3A_47 : memref<10112x64xf32, #tpu.memory_space<hbm>>) target(%dma_start3A_37 : memref<128x64xf32, #tpu.memory_space<vmem>>) offsets(%dma_start3A_40 : memref<128xi32, #tpu.memory_space<vmem>>) semaphore(%arg12 : memref<!tpu.dma_semaphore, #tpu.memory_space<semaphore_mem>>)
    %dma_start3A_48 = arith.constant 3 : i32
    %dma_start3A_49 = arith.constant 1 : i32
    %dma_start3A_50 = arith.constant 128 : i32
    %dma_start3A_51 = arith.constant 0 : i32
    %dma_start3A_52 = tpu.memref_slice %arg9[%dma_start3A_49, %dma_start3A_50, %dma_start3A_51] : memref<2x256x64xf32, #tpu.memory_space<vmem>> -> memref<1x128x64xf32, #tpu.memory_space<vmem>>
    %dma_start3A_53 = tpu.memref_squeeze %dma_start3A_52 : memref<1x128x64xf32, #tpu.memory_space<vmem>> -> memref<128x64xf32, #tpu.memory_space<vmem>>
    %dma_start3A_54 = arith.constant 0 : i32
    %dma_start3A_55 = tpu.memref_slice %arg7[%dma_start3A_48, %dma_start3A_54] : memref<160x128xi32, #tpu.memory_space<vmem>> -> memref<1x128xi32, #tpu.memory_space<vmem>>
    %dma_start3A_56 = tpu.memref_squeeze %dma_start3A_55 : memref<1x128xi32, #tpu.memory_space<vmem>> -> memref<128xi32, #tpu.memory_space<vmem>>
    %dma_start3A_57 = arith.constant 0 : i32
    %dma_start3A_58 = arith.constant 0 : i32
    %dma_start3A_59 = tpu.memref_slice %arg2[%arg0, %dma_start3A_57, %dma_start3A_58] : memref<2x10112x64xf32, #tpu.memory_space<hbm>> -> memref<1x10112x64xf32, #tpu.memory_space<hbm>>
    %dma_start3A_60 = tpu.memref_squeeze %dma_start3A_59 : memref<1x10112x64xf32, #tpu.memory_space<hbm>> -> memref<10112x64xf32, #tpu.memory_space<hbm>>
    %dma_start3A_61 = arith.constant 0 : i32
    %dma_start3A_62 = arith.constant 0 : i32
    %dma_start3A_63 = tpu.memref_slice %dma_start3A_60[%dma_start3A_61, %dma_start3A_62] : memref<10112x64xf32, #tpu.memory_space<hbm>> -> memref<10112x64xf32, #tpu.memory_space<hbm>>
    tpu.enqueue_indirect_dma source(%dma_start3A_63 : memref<10112x64xf32, #tpu.memory_space<hbm>>) target(%dma_start3A_53 : memref<128x64xf32, #tpu.memory_space<vmem>>) offsets(%dma_start3A_56 : memref<128xi32, #tpu.memory_space<vmem>>) semaphore(%arg12 : memref<!tpu.dma_semaphore, #tpu.memory_space<semaphore_mem>>)
    %mul3A_64 = arith.constant 632 : i32
    %mul3A_65 = arith.muli %arg1, %mul3A_64 : i32
    %mul3A_66 = arith.constant 632 : i32
    %mul3A_67 = arith.muli %arg1, %mul3A_66 : i32
    "tpu.region"() ({
      %run_scoped3A = tpu.sem_alloc : memref<!tpu.dma_semaphore, #tpu.memory_space<semaphore_mem>>
      %dma_start3A_78 = arith.constant 0 : i32
      %dma_start3A_79 = tpu.memref_slice %arg10[%mul3A_67, %dma_start3A_78] : memref<10112x64xf32, #tpu.memory_space<vmem_shared>> -> memref<632x64xf32, #tpu.memory_space<vmem_shared>>
      %dma_start3A_80 = arith.constant 0 : i32
      %dma_start3A_81 = tpu.memref_slice %arg5[%mul3A_65, %dma_start3A_80] : memref<10112x64xf32, #tpu.memory_space<hbm>> -> memref<632x64xf32, #tpu.memory_space<hbm>>
      tpu.enqueue_dma source(%dma_start3A_81 : memref<632x64xf32, #tpu.memory_space<hbm>>) target(%dma_start3A_79 : memref<632x64xf32, #tpu.memory_space<vmem_shared>>) target_semaphore(%run_scoped3A : memref<!tpu.dma_semaphore, #tpu.memory_space<semaphore_mem>>)
      %dma_wait3A = arith.constant 0 : i32
      %dma_wait3A_82 = tpu.memref_slice %arg10[%mul3A_67, %dma_wait3A] : memref<10112x64xf32, #tpu.memory_space<vmem_shared>> -> memref<632x64xf32, #tpu.memory_space<vmem_shared>>
      %dma_wait3A_83 = arith.constant 0 : i32
      %dma_wait3A_84 = tpu.memref_slice %arg5[%mul3A_65, %dma_wait3A_83] : memref<10112x64xf32, #tpu.memory_space<hbm>> -> memref<632x64xf32, #tpu.memory_space<hbm>>
      tpu.wait_dma2 semaphore(%run_scoped3A : memref<!tpu.dma_semaphore, #tpu.memory_space<semaphore_mem>>) src(%dma_wait3A_84 : memref<632x64xf32, #tpu.memory_space<hbm>>) dst(%dma_wait3A_82 : memref<632x64xf32, #tpu.memory_space<vmem_shared>>)
      tpu.yield
    }) : () -> ()
    %barrier3A = arith.constant 0 : index
    tpu.barrier barrier_id(%barrier3A)
    %scan3A = arith.constant 0 : i32
    %scan3A_68 = arith.constant 0 : i32
    %scan3A_69 = arith.constant 40 : i32
    %scan3A_70 = arith.addi %scan3A_68, %scan3A_69 : i32
    %scan3A_71 = arith.constant 1 : i32
    scf.for %scan3A_78 = %scan3A_68 to %scan3A_70 step %scan3A_71  : i32 {
      %mul3A_79 = arith.constant 2 : i32
      %mul3A_80 = arith.muli %scan3A_78, %mul3A_79 : i32
      %dma_wait3A = arith.constant 0 : i32
      %dma_wait3A_81 = arith.constant 0 : i32
      %dma_wait3A_82 = arith.constant 0 : i32
      %dma_wait3A_83 = tpu.memref_slice %arg9[%dma_wait3A, %dma_wait3A_81, %dma_wait3A_82] : memref<2x256x64xf32, #tpu.memory_space<vmem>> -> memref<1x256x64xf32, #tpu.memory_space<vmem>>
      %dma_wait3A_84 = tpu.memref_squeeze %dma_wait3A_83 : memref<1x256x64xf32, #tpu.memory_space<vmem>> -> memref<256x64xf32, #tpu.memory_space<vmem>>
      %dma_wait3A_85 = arith.constant 0 : i32
      %dma_wait3A_86 = arith.constant 0 : i32
      %dma_wait3A_87 = tpu.memref_slice %arg2[%arg0, %dma_wait3A_85, %dma_wait3A_86] : memref<2x10112x64xf32, #tpu.memory_space<hbm>> -> memref<1x10112x64xf32, #tpu.memory_space<hbm>>
      %dma_wait3A_88 = tpu.memref_squeeze %dma_wait3A_87 : memref<1x10112x64xf32, #tpu.memory_space<hbm>> -> memref<10112x64xf32, #tpu.memory_space<hbm>>
      %dma_wait3A_89 = arith.constant 0 : i32
      %dma_wait3A_90 = arith.constant 0 : i32
      %dma_wait3A_91 = tpu.memref_slice %dma_wait3A_88[%dma_wait3A_89, %dma_wait3A_90] : memref<10112x64xf32, #tpu.memory_space<hbm>> -> memref<256x64xf32, #tpu.memory_space<hbm>>
      %dma_wait3A_92 = arith.constant 0 : i32
      %dma_wait3A_93 = arith.constant 0 : i32
      %dma_wait3A_94 = tpu.memref_slice %arg9[%dma_wait3A, %dma_wait3A_92, %dma_wait3A_93] : memref<2x256x64xf32, #tpu.memory_space<vmem>> -> memref<1x256x64xf32, #tpu.memory_space<vmem>>
      %dma_wait3A_95 = tpu.memref_squeeze %dma_wait3A_94 : memref<1x256x64xf32, #tpu.memory_space<vmem>> -> memref<256x64xf32, #tpu.memory_space<vmem>>
      %dma_wait3A_96 = arith.constant 0 : i32
      %dma_wait3A_97 = arith.constant 0 : i32
      %dma_wait3A_98 = tpu.memref_slice %arg2[%arg0, %dma_wait3A_96, %dma_wait3A_97] : memref<2x10112x64xf32, #tpu.memory_space<hbm>> -> memref<1x10112x64xf32, #tpu.memory_space<hbm>>
      %dma_wait3A_99 = tpu.memref_squeeze %dma_wait3A_98 : memref<1x10112x64xf32, #tpu.memory_space<hbm>> -> memref<10112x64xf32, #tpu.memory_space<hbm>>
      %dma_wait3A_100 = arith.constant 0 : i32
      %dma_wait3A_101 = arith.constant 0 : i32
      %dma_wait3A_102 = tpu.memref_slice %dma_wait3A_99[%dma_wait3A_100, %dma_wait3A_101] : memref<10112x64xf32, #tpu.memory_space<hbm>> -> memref<256x64xf32, #tpu.memory_space<hbm>>
      tpu.wait_dma2 semaphore(%arg11 : memref<!tpu.dma_semaphore, #tpu.memory_space<semaphore_mem>>) src(%dma_wait3A_102 : memref<256x64xf32, #tpu.memory_space<hbm>>) dst(%dma_wait3A_95 : memref<256x64xf32, #tpu.memory_space<vmem>>)
      %mul3A_103 = arith.constant 2 : i32
      %mul3A_104 = arith.muli %mul3A_80, %mul3A_103 : i32
      %add3A = arith.constant 0 : i32
      %add3A_105 = arith.addi %mul3A_104, %add3A : i32
      %run_scoped3A = arith.constant 0 : i32
      "tpu.region"() ({
        %run_scoped3A_159 = tpu.sem_alloc : memref<!tpu.dma_semaphore, #tpu.memory_space<semaphore_mem>>
        %dma_start3A_160 = arith.constant 0 : i32
        %dma_start3A_161 = arith.constant 0 : i32
        %dma_start3A_162 = tpu.memref_slice %arg9[%run_scoped3A, %dma_start3A_160, %dma_start3A_161] : memref<2x256x64xf32, #tpu.memory_space<vmem>> -> memref<1x128x64xf32, #tpu.memory_space<vmem>>
        %dma_start3A_163 = tpu.memref_squeeze %dma_start3A_162 : memref<1x128x64xf32, #tpu.memory_space<vmem>> -> memref<128x64xf32, #tpu.memory_space<vmem>>
        %dma_start3A_164 = arith.constant 0 : i32
        %dma_start3A_165 = tpu.memref_slice %arg8[%add3A_105, %dma_start3A_164] : memref<160x128xi32, #tpu.memory_space<vmem>> -> memref<1x128xi32, #tpu.memory_space<vmem>>
        %dma_start3A_166 = tpu.memref_squeeze %dma_start3A_165 : memref<1x128xi32, #tpu.memory_space<vmem>> -> memref<128xi32, #tpu.memory_space<vmem>>
        %dma_start3A_167 = arith.constant 0 : i32
        %dma_start3A_168 = arith.constant 0 : i32
        %dma_start3A_169 = tpu.memref_slice %arg10[%dma_start3A_167, %dma_start3A_168] : memref<10112x64xf32, #tpu.memory_space<vmem_shared>> -> memref<10112x64xf32, #tpu.memory_space<vmem_shared>>
        tpu.enqueue_indirect_dma source(%dma_start3A_163 : memref<128x64xf32, #tpu.memory_space<vmem>>) target(%dma_start3A_169 : memref<10112x64xf32, #tpu.memory_space<vmem_shared>>) offsets(%dma_start3A_166 : memref<128xi32, #tpu.memory_space<vmem>>) semaphore(%run_scoped3A_159 : memref<!tpu.dma_semaphore, #tpu.memory_space<semaphore_mem>>) {add = true}
        %dma_wait3A_170 = arith.constant 0 : i32
        %dma_wait3A_171 = arith.constant 0 : i32
        %dma_wait3A_172 = tpu.memref_slice %arg9[%run_scoped3A, %dma_wait3A_170, %dma_wait3A_171] : memref<2x256x64xf32, #tpu.memory_space<vmem>> -> memref<1x128x64xf32, #tpu.memory_space<vmem>>
        %dma_wait3A_173 = tpu.memref_squeeze %dma_wait3A_172 : memref<1x128x64xf32, #tpu.memory_space<vmem>> -> memref<128x64xf32, #tpu.memory_space<vmem>>
        %dma_wait3A_174 = arith.constant 0 : i32
        %dma_wait3A_175 = tpu.memref_slice %arg8[%add3A_105, %dma_wait3A_174] : memref<160x128xi32, #tpu.memory_space<vmem>> -> memref<1x128xi32, #tpu.memory_space<vmem>>
        %dma_wait3A_176 = tpu.memref_squeeze %dma_wait3A_175 : memref<1x128xi32, #tpu.memory_space<vmem>> -> memref<128xi32, #tpu.memory_space<vmem>>
        %dma_wait3A_177 = arith.constant 0 : i32
        %dma_wait3A_178 = arith.constant 0 : i32
        %dma_wait3A_179 = tpu.memref_slice %arg10[%dma_wait3A_177, %dma_wait3A_178] : memref<10112x64xf32, #tpu.memory_space<vmem_shared>> -> memref<10112x64xf32, #tpu.memory_space<vmem_shared>>
        tpu.wait_indirect_dma semaphore(%run_scoped3A_159 : memref<!tpu.dma_semaphore, #tpu.memory_space<semaphore_mem>>) src(%dma_wait3A_173 : memref<128x64xf32, #tpu.memory_space<vmem>>) dst(%dma_wait3A_179 : memref<10112x64xf32, #tpu.memory_space<vmem_shared>>)
        tpu.yield
      }) : () -> ()
      %mul3A_106 = arith.constant 2 : i32
      %mul3A_107 = arith.muli %mul3A_80, %mul3A_106 : i32
      %add3A_108 = arith.constant 1 : i32
      %add3A_109 = arith.addi %mul3A_107, %add3A_108 : i32
      %run_scoped3A_110 = arith.constant 0 : i32
      "tpu.region"() ({
        %run_scoped3A_159 = tpu.sem_alloc : memref<!tpu.dma_semaphore, #tpu.memory_space<semaphore_mem>>
        %dma_start3A_160 = arith.constant 128 : i32
        %dma_start3A_161 = arith.constant 0 : i32
        %dma_start3A_162 = tpu.memref_slice %arg9[%run_scoped3A_110, %dma_start3A_160, %dma_start3A_161] : memref<2x256x64xf32, #tpu.memory_space<vmem>> -> memref<1x128x64xf32, #tpu.memory_space<vmem>>
        %dma_start3A_163 = tpu.memref_squeeze %dma_start3A_162 : memref<1x128x64xf32, #tpu.memory_space<vmem>> -> memref<128x64xf32, #tpu.memory_space<vmem>>
        %dma_start3A_164 = arith.constant 0 : i32
        %dma_start3A_165 = tpu.memref_slice %arg8[%add3A_109, %dma_start3A_164] : memref<160x128xi32, #tpu.memory_space<vmem>> -> memref<1x128xi32, #tpu.memory_space<vmem>>
        %dma_start3A_166 = tpu.memref_squeeze %dma_start3A_165 : memref<1x128xi32, #tpu.memory_space<vmem>> -> memref<128xi32, #tpu.memory_space<vmem>>
        %dma_start3A_167 = arith.constant 0 : i32
        %dma_start3A_168 = arith.constant 0 : i32
        %dma_start3A_169 = tpu.memref_slice %arg10[%dma_start3A_167, %dma_start3A_168] : memref<10112x64xf32, #tpu.memory_space<vmem_shared>> -> memref<10112x64xf32, #tpu.memory_space<vmem_shared>>
        tpu.enqueue_indirect_dma source(%dma_start3A_163 : memref<128x64xf32, #tpu.memory_space<vmem>>) target(%dma_start3A_169 : memref<10112x64xf32, #tpu.memory_space<vmem_shared>>) offsets(%dma_start3A_166 : memref<128xi32, #tpu.memory_space<vmem>>) semaphore(%run_scoped3A_159 : memref<!tpu.dma_semaphore, #tpu.memory_space<semaphore_mem>>) {add = true}
        %dma_wait3A_170 = arith.constant 128 : i32
        %dma_wait3A_171 = arith.constant 0 : i32
        %dma_wait3A_172 = tpu.memref_slice %arg9[%run_scoped3A_110, %dma_wait3A_170, %dma_wait3A_171] : memref<2x256x64xf32, #tpu.memory_space<vmem>> -> memref<1x128x64xf32, #tpu.memory_space<vmem>>
        %dma_wait3A_173 = tpu.memref_squeeze %dma_wait3A_172 : memref<1x128x64xf32, #tpu.memory_space<vmem>> -> memref<128x64xf32, #tpu.memory_space<vmem>>
        %dma_wait3A_174 = arith.constant 0 : i32
        %dma_wait3A_175 = tpu.memref_slice %arg8[%add3A_109, %dma_wait3A_174] : memref<160x128xi32, #tpu.memory_space<vmem>> -> memref<1x128xi32, #tpu.memory_space<vmem>>
        %dma_wait3A_176 = tpu.memref_squeeze %dma_wait3A_175 : memref<1x128xi32, #tpu.memory_space<vmem>> -> memref<128xi32, #tpu.memory_space<vmem>>
        %dma_wait3A_177 = arith.constant 0 : i32
        %dma_wait3A_178 = arith.constant 0 : i32
        %dma_wait3A_179 = tpu.memref_slice %arg10[%dma_wait3A_177, %dma_wait3A_178] : memref<10112x64xf32, #tpu.memory_space<vmem_shared>> -> memref<10112x64xf32, #tpu.memory_space<vmem_shared>>
        tpu.wait_indirect_dma semaphore(%run_scoped3A_159 : memref<!tpu.dma_semaphore, #tpu.memory_space<semaphore_mem>>) src(%dma_wait3A_173 : memref<128x64xf32, #tpu.memory_space<vmem>>) dst(%dma_wait3A_179 : memref<10112x64xf32, #tpu.memory_space<vmem_shared>>)
        tpu.yield
      }) : () -> ()
      %add3A_111 = arith.constant 2 : i32
      %add3A_112 = arith.addi %mul3A_80, %add3A_111 : i32
      %lt3A = arith.constant 80 : i32
      %lt3A_113 = arith.cmpi slt, %add3A_112, %lt3A : i32
      %convert_element_type3A = arith.extui %lt3A_113 : i1 to i32
      %cond3A = arith.constant 0 : i32
      %cond3A_114 = arith.cmpi ne, %convert_element_type3A, %cond3A : i32
      scf.if %cond3A_114 {
        %add3A_159 = arith.constant 2 : i32
        %add3A_160 = arith.addi %mul3A_80, %add3A_159 : i32
        %mul3A_161 = arith.constant 2 : i32
        %mul3A_162 = arith.muli %add3A_160, %mul3A_161 : i32
        %add3A_163 = arith.constant 0 : i32
        %add3A_164 = arith.addi %mul3A_162, %add3A_163 : i32
        %dma_start3A_165 = arith.constant 0 : i32
        %dma_start3A_166 = arith.constant 0 : i32
        %dma_start3A_167 = arith.constant 0 : i32
        %dma_start3A_168 = tpu.memref_slice %arg9[%dma_start3A_165, %dma_start3A_166, %dma_start3A_167] : memref<2x256x64xf32, #tpu.memory_space<vmem>> -> memref<1x128x64xf32, #tpu.memory_space<vmem>>
        %dma_start3A_169 = tpu.memref_squeeze %dma_start3A_168 : memref<1x128x64xf32, #tpu.memory_space<vmem>> -> memref<128x64xf32, #tpu.memory_space<vmem>>
        %dma_start3A_170 = arith.constant 0 : i32
        %dma_start3A_171 = tpu.memref_slice %arg7[%add3A_164, %dma_start3A_170] : memref<160x128xi32, #tpu.memory_space<vmem>> -> memref<1x128xi32, #tpu.memory_space<vmem>>
        %dma_start3A_172 = tpu.memref_squeeze %dma_start3A_171 : memref<1x128xi32, #tpu.memory_space<vmem>> -> memref<128xi32, #tpu.memory_space<vmem>>
        %dma_start3A_173 = arith.constant 0 : i32
        %dma_start3A_174 = arith.constant 0 : i32
        %dma_start3A_175 = tpu.memref_slice %arg2[%arg0, %dma_start3A_173, %dma_start3A_174] : memref<2x10112x64xf32, #tpu.memory_space<hbm>> -> memref<1x10112x64xf32, #tpu.memory_space<hbm>>
        %dma_start3A_176 = tpu.memref_squeeze %dma_start3A_175 : memref<1x10112x64xf32, #tpu.memory_space<hbm>> -> memref<10112x64xf32, #tpu.memory_space<hbm>>
        %dma_start3A_177 = arith.constant 0 : i32
        %dma_start3A_178 = arith.constant 0 : i32
        %dma_start3A_179 = tpu.memref_slice %dma_start3A_176[%dma_start3A_177, %dma_start3A_178] : memref<10112x64xf32, #tpu.memory_space<hbm>> -> memref<10112x64xf32, #tpu.memory_space<hbm>>
        tpu.enqueue_indirect_dma source(%dma_start3A_179 : memref<10112x64xf32, #tpu.memory_space<hbm>>) target(%dma_start3A_169 : memref<128x64xf32, #tpu.memory_space<vmem>>) offsets(%dma_start3A_172 : memref<128xi32, #tpu.memory_space<vmem>>) semaphore(%arg11 : memref<!tpu.dma_semaphore, #tpu.memory_space<semaphore_mem>>)
        %mul3A_180 = arith.constant 2 : i32
        %mul3A_181 = arith.muli %add3A_160, %mul3A_180 : i32
        %add3A_182 = arith.constant 1 : i32
        %add3A_183 = arith.addi %mul3A_181, %add3A_182 : i32
        %dma_start3A_184 = arith.constant 0 : i32
        %dma_start3A_185 = arith.constant 128 : i32
        %dma_start3A_186 = arith.constant 0 : i32
        %dma_start3A_187 = tpu.memref_slice %arg9[%dma_start3A_184, %dma_start3A_185, %dma_start3A_186] : memref<2x256x64xf32, #tpu.memory_space<vmem>> -> memref<1x128x64xf32, #tpu.memory_space<vmem>>
        %dma_start3A_188 = tpu.memref_squeeze %dma_start3A_187 : memref<1x128x64xf32, #tpu.memory_space<vmem>> -> memref<128x64xf32, #tpu.memory_space<vmem>>
        %dma_start3A_189 = arith.constant 0 : i32
        %dma_start3A_190 = tpu.memref_slice %arg7[%add3A_183, %dma_start3A_189] : memref<160x128xi32, #tpu.memory_space<vmem>> -> memref<1x128xi32, #tpu.memory_space<vmem>>
        %dma_start3A_191 = tpu.memref_squeeze %dma_start3A_190 : memref<1x128xi32, #tpu.memory_space<vmem>> -> memref<128xi32, #tpu.memory_space<vmem>>
        %dma_start3A_192 = arith.constant 0 : i32
        %dma_start3A_193 = arith.constant 0 : i32
        %dma_start3A_194 = tpu.memref_slice %arg2[%arg0, %dma_start3A_192, %dma_start3A_193] : memref<2x10112x64xf32, #tpu.memory_space<hbm>> -> memref<1x10112x64xf32, #tpu.memory_space<hbm>>
        %dma_start3A_195 = tpu.memref_squeeze %dma_start3A_194 : memref<1x10112x64xf32, #tpu.memory_space<hbm>> -> memref<10112x64xf32, #tpu.memory_space<hbm>>
        %dma_start3A_196 = arith.constant 0 : i32
        %dma_start3A_197 = arith.constant 0 : i32
        %dma_start3A_198 = tpu.memref_slice %dma_start3A_195[%dma_start3A_196, %dma_start3A_197] : memref<10112x64xf32, #tpu.memory_space<hbm>> -> memref<10112x64xf32, #tpu.memory_space<hbm>>
        tpu.enqueue_indirect_dma source(%dma_start3A_198 : memref<10112x64xf32, #tpu.memory_space<hbm>>) target(%dma_start3A_188 : memref<128x64xf32, #tpu.memory_space<vmem>>) offsets(%dma_start3A_191 : memref<128xi32, #tpu.memory_space<vmem>>) semaphore(%arg11 : memref<!tpu.dma_semaphore, #tpu.memory_space<semaphore_mem>>)
      } else {
      }
      %mul3A_115 = arith.constant 2 : i32
      %mul3A_116 = arith.muli %scan3A_78, %mul3A_115 : i32
      %add3A_117 = arith.constant 1 : i32
      %add3A_118 = arith.addi %mul3A_116, %add3A_117 : i32
      %dma_wait3A_119 = arith.constant 1 : i32
      %dma_wait3A_120 = arith.constant 0 : i32
      %dma_wait3A_121 = arith.constant 0 : i32
      %dma_wait3A_122 = tpu.memref_slice %arg9[%dma_wait3A_119, %dma_wait3A_120, %dma_wait3A_121] : memref<2x256x64xf32, #tpu.memory_space<vmem>> -> memref<1x256x64xf32, #tpu.memory_space<vmem>>
      %dma_wait3A_123 = tpu.memref_squeeze %dma_wait3A_122 : memref<1x256x64xf32, #tpu.memory_space<vmem>> -> memref<256x64xf32, #tpu.memory_space<vmem>>
      %dma_wait3A_124 = arith.constant 0 : i32
      %dma_wait3A_125 = arith.constant 0 : i32
      %dma_wait3A_126 = tpu.memref_slice %arg2[%arg0, %dma_wait3A_124, %dma_wait3A_125] : memref<2x10112x64xf32, #tpu.memory_space<hbm>> -> memref<1x10112x64xf32, #tpu.memory_space<hbm>>
      %dma_wait3A_127 = tpu.memref_squeeze %dma_wait3A_126 : memref<1x10112x64xf32, #tpu.memory_space<hbm>> -> memref<10112x64xf32, #tpu.memory_space<hbm>>
      %dma_wait3A_128 = arith.constant 0 : i32
      %dma_wait3A_129 = arith.constant 0 : i32
      %dma_wait3A_130 = tpu.memref_slice %dma_wait3A_127[%dma_wait3A_128, %dma_wait3A_129] : memref<10112x64xf32, #tpu.memory_space<hbm>> -> memref<256x64xf32, #tpu.memory_space<hbm>>
      %dma_wait3A_131 = arith.constant 0 : i32
      %dma_wait3A_132 = arith.constant 0 : i32
      %dma_wait3A_133 = tpu.memref_slice %arg9[%dma_wait3A_119, %dma_wait3A_131, %dma_wait3A_132] : memref<2x256x64xf32, #tpu.memory_space<vmem>> -> memref<1x256x64xf32, #tpu.memory_space<vmem>>
      %dma_wait3A_134 = tpu.memref_squeeze %dma_wait3A_133 : memref<1x256x64xf32, #tpu.memory_space<vmem>> -> memref<256x64xf32, #tpu.memory_space<vmem>>
      %dma_wait3A_135 = arith.constant 0 : i32
      %dma_wait3A_136 = arith.constant 0 : i32
      %dma_wait3A_137 = tpu.memref_slice %arg2[%arg0, %dma_wait3A_135, %dma_wait3A_136] : memref<2x10112x64xf32, #tpu.memory_space<hbm>> -> memref<1x10112x64xf32, #tpu.memory_space<hbm>>
      %dma_wait3A_138 = tpu.memref_squeeze %dma_wait3A_137 : memref<1x10112x64xf32, #tpu.memory_space<hbm>> -> memref<10112x64xf32, #tpu.memory_space<hbm>>
      %dma_wait3A_139 = arith.constant 0 : i32
      %dma_wait3A_140 = arith.constant 0 : i32
      %dma_wait3A_141 = tpu.memref_slice %dma_wait3A_138[%dma_wait3A_139, %dma_wait3A_140] : memref<10112x64xf32, #tpu.memory_space<hbm>> -> memref<256x64xf32, #tpu.memory_space<hbm>>
      tpu.wait_dma2 semaphore(%arg12 : memref<!tpu.dma_semaphore, #tpu.memory_space<semaphore_mem>>) src(%dma_wait3A_141 : memref<256x64xf32, #tpu.memory_space<hbm>>) dst(%dma_wait3A_134 : memref<256x64xf32, #tpu.memory_space<vmem>>)
      %mul3A_142 = arith.constant 2 : i32
      %mul3A_143 = arith.muli %add3A_118, %mul3A_142 : i32
      %add3A_144 = arith.constant 0 : i32
      %add3A_145 = arith.addi %mul3A_143, %add3A_144 : i32
      %run_scoped3A_146 = arith.constant 1 : i32
      "tpu.region"() ({
        %run_scoped3A_159 = tpu.sem_alloc : memref<!tpu.dma_semaphore, #tpu.memory_space<semaphore_mem>>
        %dma_start3A_160 = arith.constant 0 : i32
        %dma_start3A_161 = arith.constant 0 : i32
        %dma_start3A_162 = tpu.memref_slice %arg9[%run_scoped3A_146, %dma_start3A_160, %dma_start3A_161] : memref<2x256x64xf32, #tpu.memory_space<vmem>> -> memref<1x128x64xf32, #tpu.memory_space<vmem>>
        %dma_start3A_163 = tpu.memref_squeeze %dma_start3A_162 : memref<1x128x64xf32, #tpu.memory_space<vmem>> -> memref<128x64xf32, #tpu.memory_space<vmem>>
        %dma_start3A_164 = arith.constant 0 : i32
        %dma_start3A_165 = tpu.memref_slice %arg8[%add3A_145, %dma_start3A_164] : memref<160x128xi32, #tpu.memory_space<vmem>> -> memref<1x128xi32, #tpu.memory_space<vmem>>
        %dma_start3A_166 = tpu.memref_squeeze %dma_start3A_165 : memref<1x128xi32, #tpu.memory_space<vmem>> -> memref<128xi32, #tpu.memory_space<vmem>>
        %dma_start3A_167 = arith.constant 0 : i32
        %dma_start3A_168 = arith.constant 0 : i32
        %dma_start3A_169 = tpu.memref_slice %arg10[%dma_start3A_167, %dma_start3A_168] : memref<10112x64xf32, #tpu.memory_space<vmem_shared>> -> memref<10112x64xf32, #tpu.memory_space<vmem_shared>>
        tpu.enqueue_indirect_dma source(%dma_start3A_163 : memref<128x64xf32, #tpu.memory_space<vmem>>) target(%dma_start3A_169 : memref<10112x64xf32, #tpu.memory_space<vmem_shared>>) offsets(%dma_start3A_166 : memref<128xi32, #tpu.memory_space<vmem>>) semaphore(%run_scoped3A_159 : memref<!tpu.dma_semaphore, #tpu.memory_space<semaphore_mem>>) {add = true}
        %dma_wait3A_170 = arith.constant 0 : i32
        %dma_wait3A_171 = arith.constant 0 : i32
        %dma_wait3A_172 = tpu.memref_slice %arg9[%run_scoped3A_146, %dma_wait3A_170, %dma_wait3A_171] : memref<2x256x64xf32, #tpu.memory_space<vmem>> -> memref<1x128x64xf32, #tpu.memory_space<vmem>>
        %dma_wait3A_173 = tpu.memref_squeeze %dma_wait3A_172 : memref<1x128x64xf32, #tpu.memory_space<vmem>> -> memref<128x64xf32, #tpu.memory_space<vmem>>
        %dma_wait3A_174 = arith.constant 0 : i32
        %dma_wait3A_175 = tpu.memref_slice %arg8[%add3A_145, %dma_wait3A_174] : memref<160x128xi32, #tpu.memory_space<vmem>> -> memref<1x128xi32, #tpu.memory_space<vmem>>
        %dma_wait3A_176 = tpu.memref_squeeze %dma_wait3A_175 : memref<1x128xi32, #tpu.memory_space<vmem>> -> memref<128xi32, #tpu.memory_space<vmem>>
        %dma_wait3A_177 = arith.constant 0 : i32
        %dma_wait3A_178 = arith.constant 0 : i32
        %dma_wait3A_179 = tpu.memref_slice %arg10[%dma_wait3A_177, %dma_wait3A_178] : memref<10112x64xf32, #tpu.memory_space<vmem_shared>> -> memref<10112x64xf32, #tpu.memory_space<vmem_shared>>
        tpu.wait_indirect_dma semaphore(%run_scoped3A_159 : memref<!tpu.dma_semaphore, #tpu.memory_space<semaphore_mem>>) src(%dma_wait3A_173 : memref<128x64xf32, #tpu.memory_space<vmem>>) dst(%dma_wait3A_179 : memref<10112x64xf32, #tpu.memory_space<vmem_shared>>)
        tpu.yield
      }) : () -> ()
      %mul3A_147 = arith.constant 2 : i32
      %mul3A_148 = arith.muli %add3A_118, %mul3A_147 : i32
      %add3A_149 = arith.constant 1 : i32
      %add3A_150 = arith.addi %mul3A_148, %add3A_149 : i32
      %run_scoped3A_151 = arith.constant 1 : i32
      "tpu.region"() ({
        %run_scoped3A_159 = tpu.sem_alloc : memref<!tpu.dma_semaphore, #tpu.memory_space<semaphore_mem>>
        %dma_start3A_160 = arith.constant 128 : i32
        %dma_start3A_161 = arith.constant 0 : i32
        %dma_start3A_162 = tpu.memref_slice %arg9[%run_scoped3A_151, %dma_start3A_160, %dma_start3A_161] : memref<2x256x64xf32, #tpu.memory_space<vmem>> -> memref<1x128x64xf32, #tpu.memory_space<vmem>>
        %dma_start3A_163 = tpu.memref_squeeze %dma_start3A_162 : memref<1x128x64xf32, #tpu.memory_space<vmem>> -> memref<128x64xf32, #tpu.memory_space<vmem>>
        %dma_start3A_164 = arith.constant 0 : i32
        %dma_start3A_165 = tpu.memref_slice %arg8[%add3A_150, %dma_start3A_164] : memref<160x128xi32, #tpu.memory_space<vmem>> -> memref<1x128xi32, #tpu.memory_space<vmem>>
        %dma_start3A_166 = tpu.memref_squeeze %dma_start3A_165 : memref<1x128xi32, #tpu.memory_space<vmem>> -> memref<128xi32, #tpu.memory_space<vmem>>
        %dma_start3A_167 = arith.constant 0 : i32
        %dma_start3A_168 = arith.constant 0 : i32
        %dma_start3A_169 = tpu.memref_slice %arg10[%dma_start3A_167, %dma_start3A_168] : memref<10112x64xf32, #tpu.memory_space<vmem_shared>> -> memref<10112x64xf32, #tpu.memory_space<vmem_shared>>
        tpu.enqueue_indirect_dma source(%dma_start3A_163 : memref<128x64xf32, #tpu.memory_space<vmem>>) target(%dma_start3A_169 : memref<10112x64xf32, #tpu.memory_space<vmem_shared>>) offsets(%dma_start3A_166 : memref<128xi32, #tpu.memory_space<vmem>>) semaphore(%run_scoped3A_159 : memref<!tpu.dma_semaphore, #tpu.memory_space<semaphore_mem>>) {add = true}
        %dma_wait3A_170 = arith.constant 128 : i32
        %dma_wait3A_171 = arith.constant 0 : i32
        %dma_wait3A_172 = tpu.memref_slice %arg9[%run_scoped3A_151, %dma_wait3A_170, %dma_wait3A_171] : memref<2x256x64xf32, #tpu.memory_space<vmem>> -> memref<1x128x64xf32, #tpu.memory_space<vmem>>
        %dma_wait3A_173 = tpu.memref_squeeze %dma_wait3A_172 : memref<1x128x64xf32, #tpu.memory_space<vmem>> -> memref<128x64xf32, #tpu.memory_space<vmem>>
        %dma_wait3A_174 = arith.constant 0 : i32
        %dma_wait3A_175 = tpu.memref_slice %arg8[%add3A_150, %dma_wait3A_174] : memref<160x128xi32, #tpu.memory_space<vmem>> -> memref<1x128xi32, #tpu.memory_space<vmem>>
        %dma_wait3A_176 = tpu.memref_squeeze %dma_wait3A_175 : memref<1x128xi32, #tpu.memory_space<vmem>> -> memref<128xi32, #tpu.memory_space<vmem>>
        %dma_wait3A_177 = arith.constant 0 : i32
        %dma_wait3A_178 = arith.constant 0 : i32
        %dma_wait3A_179 = tpu.memref_slice %arg10[%dma_wait3A_177, %dma_wait3A_178] : memref<10112x64xf32, #tpu.memory_space<vmem_shared>> -> memref<10112x64xf32, #tpu.memory_space<vmem_shared>>
        tpu.wait_indirect_dma semaphore(%run_scoped3A_159 : memref<!tpu.dma_semaphore, #tpu.memory_space<semaphore_mem>>) src(%dma_wait3A_173 : memref<128x64xf32, #tpu.memory_space<vmem>>) dst(%dma_wait3A_179 : memref<10112x64xf32, #tpu.memory_space<vmem_shared>>)
        tpu.yield
      }) : () -> ()
      %add3A_152 = arith.constant 2 : i32
      %add3A_153 = arith.addi %add3A_118, %add3A_152 : i32
      %lt3A_154 = arith.constant 80 : i32
      %lt3A_155 = arith.cmpi slt, %add3A_153, %lt3A_154 : i32
      %convert_element_type3A_156 = arith.extui %lt3A_155 : i1 to i32
      %cond3A_157 = arith.constant 0 : i32
      %cond3A_158 = arith.cmpi ne, %convert_element_type3A_156, %cond3A_157 : i32
      scf.if %cond3A_158 {
        %add3A_159 = arith.constant 2 : i32
        %add3A_160 = arith.addi %add3A_118, %add3A_159 : i32
        %mul3A_161 = arith.constant 2 : i32
        %mul3A_162 = arith.muli %add3A_160, %mul3A_161 : i32
        %add3A_163 = arith.constant 0 : i32
        %add3A_164 = arith.addi %mul3A_162, %add3A_163 : i32
        %dma_start3A_165 = arith.constant 1 : i32
        %dma_start3A_166 = arith.constant 0 : i32
        %dma_start3A_167 = arith.constant 0 : i32
        %dma_start3A_168 = tpu.memref_slice %arg9[%dma_start3A_165, %dma_start3A_166, %dma_start3A_167] : memref<2x256x64xf32, #tpu.memory_space<vmem>> -> memref<1x128x64xf32, #tpu.memory_space<vmem>>
        %dma_start3A_169 = tpu.memref_squeeze %dma_start3A_168 : memref<1x128x64xf32, #tpu.memory_space<vmem>> -> memref<128x64xf32, #tpu.memory_space<vmem>>
        %dma_start3A_170 = arith.constant 0 : i32
        %dma_start3A_171 = tpu.memref_slice %arg7[%add3A_164, %dma_start3A_170] : memref<160x128xi32, #tpu.memory_space<vmem>> -> memref<1x128xi32, #tpu.memory_space<vmem>>
        %dma_start3A_172 = tpu.memref_squeeze %dma_start3A_171 : memref<1x128xi32, #tpu.memory_space<vmem>> -> memref<128xi32, #tpu.memory_space<vmem>>
        %dma_start3A_173 = arith.constant 0 : i32
        %dma_start3A_174 = arith.constant 0 : i32
        %dma_start3A_175 = tpu.memref_slice %arg2[%arg0, %dma_start3A_173, %dma_start3A_174] : memref<2x10112x64xf32, #tpu.memory_space<hbm>> -> memref<1x10112x64xf32, #tpu.memory_space<hbm>>
        %dma_start3A_176 = tpu.memref_squeeze %dma_start3A_175 : memref<1x10112x64xf32, #tpu.memory_space<hbm>> -> memref<10112x64xf32, #tpu.memory_space<hbm>>
        %dma_start3A_177 = arith.constant 0 : i32
        %dma_start3A_178 = arith.constant 0 : i32
        %dma_start3A_179 = tpu.memref_slice %dma_start3A_176[%dma_start3A_177, %dma_start3A_178] : memref<10112x64xf32, #tpu.memory_space<hbm>> -> memref<10112x64xf32, #tpu.memory_space<hbm>>
        tpu.enqueue_indirect_dma source(%dma_start3A_179 : memref<10112x64xf32, #tpu.memory_space<hbm>>) target(%dma_start3A_169 : memref<128x64xf32, #tpu.memory_space<vmem>>) offsets(%dma_start3A_172 : memref<128xi32, #tpu.memory_space<vmem>>) semaphore(%arg12 : memref<!tpu.dma_semaphore, #tpu.memory_space<semaphore_mem>>)
        %mul3A_180 = arith.constant 2 : i32
        %mul3A_181 = arith.muli %add3A_160, %mul3A_180 : i32
        %add3A_182 = arith.constant 1 : i32
        %add3A_183 = arith.addi %mul3A_181, %add3A_182 : i32
        %dma_start3A_184 = arith.constant 1 : i32
        %dma_start3A_185 = arith.constant 128 : i32
        %dma_start3A_186 = arith.constant 0 : i32
        %dma_start3A_187 = tpu.memref_slice %arg9[%dma_start3A_184, %dma_start3A_185, %dma_start3A_186] : memref<2x256x64xf32, #tpu.memory_space<vmem>> -> memref<1x128x64xf32, #tpu.memory_space<vmem>>
        %dma_start3A_188 = tpu.memref_squeeze %dma_start3A_187 : memref<1x128x64xf32, #tpu.memory_space<vmem>> -> memref<128x64xf32, #tpu.memory_space<vmem>>
        %dma_start3A_189 = arith.constant 0 : i32
        %dma_start3A_190 = tpu.memref_slice %arg7[%add3A_183, %dma_start3A_189] : memref<160x128xi32, #tpu.memory_space<vmem>> -> memref<1x128xi32, #tpu.memory_space<vmem>>
        %dma_start3A_191 = tpu.memref_squeeze %dma_start3A_190 : memref<1x128xi32, #tpu.memory_space<vmem>> -> memref<128xi32, #tpu.memory_space<vmem>>
        %dma_start3A_192 = arith.constant 0 : i32
        %dma_start3A_193 = arith.constant 0 : i32
        %dma_start3A_194 = tpu.memref_slice %arg2[%arg0, %dma_start3A_192, %dma_start3A_193] : memref<2x10112x64xf32, #tpu.memory_space<hbm>> -> memref<1x10112x64xf32, #tpu.memory_space<hbm>>
        %dma_start3A_195 = tpu.memref_squeeze %dma_start3A_194 : memref<1x10112x64xf32, #tpu.memory_space<hbm>> -> memref<10112x64xf32, #tpu.memory_space<hbm>>
        %dma_start3A_196 = arith.constant 0 : i32
        %dma_start3A_197 = arith.constant 0 : i32
        %dma_start3A_198 = tpu.memref_slice %dma_start3A_195[%dma_start3A_196, %dma_start3A_197] : memref<10112x64xf32, #tpu.memory_space<hbm>> -> memref<10112x64xf32, #tpu.memory_space<hbm>>
        tpu.enqueue_indirect_dma source(%dma_start3A_198 : memref<10112x64xf32, #tpu.memory_space<hbm>>) target(%dma_start3A_188 : memref<128x64xf32, #tpu.memory_space<vmem>>) offsets(%dma_start3A_191 : memref<128xi32, #tpu.memory_space<vmem>>) semaphore(%arg12 : memref<!tpu.dma_semaphore, #tpu.memory_space<semaphore_mem>>)
      } else {
      }
    }
    %scan3A_72 = arith.constant 40 : i32
    %barrier3A_73 = arith.constant 0 : index
    tpu.barrier barrier_id(%barrier3A_73)
    %mul3A_74 = arith.constant 632 : i32
    %mul3A_75 = arith.muli %arg1, %mul3A_74 : i32
    %mul3A_76 = arith.constant 632 : i32
    %mul3A_77 = arith.muli %arg1, %mul3A_76 : i32
    "tpu.region"() ({
      %run_scoped3A = tpu.sem_alloc : memref<!tpu.dma_semaphore, #tpu.memory_space<semaphore_mem>>
      %dma_start3A_78 = arith.constant 0 : i32
      %dma_start3A_79 = tpu.memref_slice %arg6[%arg0, %mul3A_77, %dma_start3A_78] : memref<2x10112x64xf32, #tpu.memory_space<hbm>> -> memref<1x632x64xf32, #tpu.memory_space<hbm>>
      %dma_start3A_80 = tpu.memref_squeeze %dma_start3A_79 : memref<1x632x64xf32, #tpu.memory_space<hbm>> -> memref<632x64xf32, #tpu.memory_space<hbm>>
      %dma_start3A_81 = arith.constant 0 : i32
      %dma_start3A_82 = tpu.memref_slice %arg10[%mul3A_75, %dma_start3A_81] : memref<10112x64xf32, #tpu.memory_space<vmem_shared>> -> memref<632x64xf32, #tpu.memory_space<vmem_shared>>
      tpu.enqueue_dma source(%dma_start3A_82 : memref<632x64xf32, #tpu.memory_space<vmem_shared>>) target(%dma_start3A_80 : memref<632x64xf32, #tpu.memory_space<hbm>>) target_semaphore(%run_scoped3A : memref<!tpu.dma_semaphore, #tpu.memory_space<semaphore_mem>>)
      %dma_wait3A = arith.constant 0 : i32
      %dma_wait3A_83 = tpu.memref_slice %arg6[%arg0, %mul3A_77, %dma_wait3A] : memref<2x10112x64xf32, #tpu.memory_space<hbm>> -> memref<1x632x64xf32, #tpu.memory_space<hbm>>
      %dma_wait3A_84 = tpu.memref_squeeze %dma_wait3A_83 : memref<1x632x64xf32, #tpu.memory_space<hbm>> -> memref<632x64xf32, #tpu.memory_space<hbm>>
      %dma_wait3A_85 = arith.constant 0 : i32
      %dma_wait3A_86 = tpu.memref_slice %arg10[%mul3A_75, %dma_wait3A_85] : memref<10112x64xf32, #tpu.memory_space<vmem_shared>> -> memref<632x64xf32, #tpu.memory_space<vmem_shared>>
      tpu.wait_dma2 semaphore(%run_scoped3A : memref<!tpu.dma_semaphore, #tpu.memory_space<semaphore_mem>>) src(%dma_wait3A_86 : memref<632x64xf32, #tpu.memory_space<vmem_shared>>) dst(%dma_wait3A_84 : memref<632x64xf32, #tpu.memory_space<hbm>>)
      tpu.yield
    }) : () -> ()
    return
  }
}

#map = affine_map<(d0, d1) -> (0, 0, 0)>
#map1 = affine_map<(d0, d1) -> (0, 0)>
module attributes {stable_mosaic.version = 14 : i64} {
  func.func @_scatter_body(%arg0: i32, %arg1: i32, %arg2: memref<2x10112x64xf32, #tpu.memory_space<hbm>>, %arg3: memref<2560x128xi32, #tpu.memory_space<hbm>>, %arg4: memref<2560x128xi32, #tpu.memory_space<hbm>>, %arg5: memref<10112x64xf32, #tpu.memory_space<hbm>>, %arg6: memref<2x10112x64xf32, #tpu.memory_space<hbm>>, %arg7: memref<160x128xi32, #tpu.memory_space<vmem>>, %arg8: memref<160x128xi32, #tpu.memory_space<vmem>>, %arg9: memref<2x256x64xf32, #tpu.memory_space<vmem>>, %arg10: memref<10112x64xf32, #tpu.memory_space<vmem_shared>>, %arg11: memref<!tpu.dma_semaphore, #tpu.memory_space<semaphore_mem>>, %arg12: memref<!tpu.dma_semaphore, #tpu.memory_space<semaphore_mem>>) attributes {dimension_semantics = [#tpu.dimension_semantics<core_parallel>, #tpu.dimension_semantics<subcore_parallel>], iteration_bounds = array<i64: 2, 16>, scalar_prefetch = 0 : i64, scratch_operands = 6 : i64, tpu.core_type = #tpu.core_type<sc_vector_subcore>, window_params = [{transform_indices = #map}, {transform_indices = #map1}, {transform_indices = #map1}, {transform_indices = #map1}, {transform_indices = #map}]} {
    %mul3A = arith.constant 160 : i32
    %mul3A_0 = arith.muli %arg1, %mul3A : i32
    "tpu.region"() ({
      %run_scoped3A = tpu.sem_alloc : memref<!tpu.dma_semaphore, #tpu.memory_space<semaphore_mem>>
      %dma_start3A_78 = arith.constant 0 : i32
      %dma_start3A_79 = tpu.memref_slice %arg3[%mul3A_0, %dma_start3A_78] : memref<2560x128xi32, #tpu.memory_space<hbm>> -> memref<160x128xi32, #tpu.memory_space<hbm>>
      %dma_start3A_80 = arith.constant 0 : i32
      %dma_start3A_81 = tpu.memref_slice %arg3[%mul3A_0, %dma_start3A_80] : memref<2560x128xi32, #tpu.memory_space<hbm>> -> memref<160x128xi32, #tpu.memory_space<hbm>>
      tpu.enqueue_dma source(%dma_start3A_81 : memref<160x128xi32, #tpu.memory_space<hbm>>) target(%arg7 : memref<160x128xi32, #tpu.memory_space<vmem>>) target_semaphore(%run_scoped3A : memref<!tpu.dma_semaphore, #tpu.memory_space<semaphore_mem>>)
      %dma_wait3A = arith.constant 0 : i32
      %dma_wait3A_82 = tpu.memref_slice %arg3[%mul3A_0, %dma_wait3A] : memref<2560x128xi32, #tpu.memory_space<hbm>> -> memref<160x128xi32, #tpu.memory_space<hbm>>
      %dma_wait3A_83 = arith.constant 0 : i32
      %dma_wait3A_84 = tpu.memref_slice %arg3[%mul3A_0, %dma_wait3A_83] : memref<2560x128xi32, #tpu.memory_space<hbm>> -> memref<160x128xi32, #tpu.memory_space<hbm>>
      tpu.wait_dma2 semaphore(%run_scoped3A : memref<!tpu.dma_semaphore, #tpu.memory_space<semaphore_mem>>) src(%dma_wait3A_84 : memref<160x128xi32, #tpu.memory_space<hbm>>) dst(%arg7 : memref<160x128xi32, #tpu.memory_space<vmem>>)
      tpu.yield
    }) : () -> ()
    "tpu.region"() ({
      %run_scoped3A = tpu.sem_alloc : memref<!tpu.dma_semaphore, #tpu.memory_space<semaphore_mem>>
      %dma_start3A_78 = arith.constant 0 : i32
      %dma_start3A_79 = tpu.memref_slice %arg4[%mul3A_0, %dma_start3A_78] : memref<2560x128xi32, #tpu.memory_space<hbm>> -> memref<160x128xi32, #tpu.memory_space<hbm>>
      %dma_start3A_80 = arith.constant 0 : i32
      %dma_start3A_81 = tpu.memref_slice %arg4[%mul3A_0, %dma_start3A_80] : memref<2560x128xi32, #tpu.memory_space<hbm>> -> memref<160x128xi32, #tpu.memory_space<hbm>>
      tpu.enqueue_dma source(%dma_start3A_81 : memref<160x128xi32, #tpu.memory_space<hbm>>) target(%arg8 : memref<160x128xi32, #tpu.memory_space<vmem>>) target_semaphore(%run_scoped3A : memref<!tpu.dma_semaphore, #tpu.memory_space<semaphore_mem>>)
      %dma_wait3A = arith.constant 0 : i32
      %dma_wait3A_82 = tpu.memref_slice %arg4[%mul3A_0, %dma_wait3A] : memref<2560x128xi32, #tpu.memory_space<hbm>> -> memref<160x128xi32, #tpu.memory_space<hbm>>
      %dma_wait3A_83 = arith.constant 0 : i32
      %dma_wait3A_84 = tpu.memref_slice %arg4[%mul3A_0, %dma_wait3A_83] : memref<2560x128xi32, #tpu.memory_space<hbm>> -> memref<160x128xi32, #tpu.memory_space<hbm>>
      tpu.wait_dma2 semaphore(%run_scoped3A : memref<!tpu.dma_semaphore, #tpu.memory_space<semaphore_mem>>) src(%dma_wait3A_84 : memref<160x128xi32, #tpu.memory_space<hbm>>) dst(%arg8 : memref<160x128xi32, #tpu.memory_space<vmem>>)
      tpu.yield
    }) : () -> ()
    %dma_start3A = arith.constant 0 : i32
    %dma_start3A_1 = arith.constant 0 : i32
    %dma_start3A_2 = arith.constant 0 : i32
    %dma_start3A_3 = arith.constant 0 : i32
    %dma_start3A_4 = tpu.memref_slice %arg9[%dma_start3A_1, %dma_start3A_2, %dma_start3A_3] : memref<2x256x64xf32, #tpu.memory_space<vmem>> -> memref<1x128x64xf32, #tpu.memory_space<vmem>>
    %dma_start3A_5 = tpu.memref_squeeze %dma_start3A_4 : memref<1x128x64xf32, #tpu.memory_space<vmem>> -> memref<128x64xf32, #tpu.memory_space<vmem>>
    %dma_start3A_6 = arith.constant 0 : i32
    %dma_start3A_7 = tpu.memref_slice %arg7[%dma_start3A, %dma_start3A_6] : memref<160x128xi32, #tpu.memory_space<vmem>> -> memref<1x128xi32, #tpu.memory_space<vmem>>
    %dma_start3A_8 = tpu.memref_squeeze %dma_start3A_7 : memref<1x128xi32, #tpu.memory_space<vmem>> -> memref<128xi32, #tpu.memory_space<vmem>>
    %dma_start3A_9 = arith.constant 0 : i32
    %dma_start3A_10 = arith.constant 0 : i32
    %dma_start3A_11 = tpu.memref_slice %arg2[%arg0, %dma_start3A_9, %dma_start3A_10] : memref<2x10112x64xf32, #tpu.memory_space<hbm>> -> memref<1x10112x64xf32, #tpu.memory_space<hbm>>
    %dma_start3A_12 = tpu.memref_squeeze %dma_start3A_11 : memref<1x10112x64xf32, #tpu.memory_space<hbm>> -> memref<10112x64xf32, #tpu.memory_space<hbm>>
    %dma_start3A_13 = arith.constant 0 : i32
    %dma_start3A_14 = arith.constant 0 : i32
    %dma_start3A_15 = tpu.memref_slice %dma_start3A_12[%dma_start3A_13, %dma_start3A_14] : memref<10112x64xf32, #tpu.memory_space<hbm>> -> memref<10112x64xf32, #tpu.memory_space<hbm>>
    tpu.enqueue_indirect_dma source(%dma_start3A_15 : memref<10112x64xf32, #tpu.memory_space<hbm>>) target(%dma_start3A_5 : memref<128x64xf32, #tpu.memory_space<vmem>>) offsets(%dma_start3A_8 : memref<128xi32, #tpu.memory_space<vmem>>) semaphore(%arg11 : memref<!tpu.dma_semaphore, #tpu.memory_space<semaphore_mem>>)
    %dma_start3A_16 = arith.constant 1 : i32
    %dma_start3A_17 = arith.constant 0 : i32
    %dma_start3A_18 = arith.constant 128 : i32
    %dma_start3A_19 = arith.constant 0 : i32
    %dma_start3A_20 = tpu.memref_slice %arg9[%dma_start3A_17, %dma_start3A_18, %dma_start3A_19] : memref<2x256x64xf32, #tpu.memory_space<vmem>> -> memref<1x128x64xf32, #tpu.memory_space<vmem>>
    %dma_start3A_21 = tpu.memref_squeeze %dma_start3A_20 : memref<1x128x64xf32, #tpu.memory_space<vmem>> -> memref<128x64xf32, #tpu.memory_space<vmem>>
    %dma_start3A_22 = arith.constant 0 : i32
    %dma_start3A_23 = tpu.memref_slice %arg7[%dma_start3A_16, %dma_start3A_22] : memref<160x128xi32, #tpu.memory_space<vmem>> -> memref<1x128xi32, #tpu.memory_space<vmem>>
    %dma_start3A_24 = tpu.memref_squeeze %dma_start3A_23 : memref<1x128xi32, #tpu.memory_space<vmem>> -> memref<128xi32, #tpu.memory_space<vmem>>
    %dma_start3A_25 = arith.constant 0 : i32
    %dma_start3A_26 = arith.constant 0 : i32
    %dma_start3A_27 = tpu.memref_slice %arg2[%arg0, %dma_start3A_25, %dma_start3A_26] : memref<2x10112x64xf32, #tpu.memory_space<hbm>> -> memref<1x10112x64xf32, #tpu.memory_space<hbm>>
    %dma_start3A_28 = tpu.memref_squeeze %dma_start3A_27 : memref<1x10112x64xf32, #tpu.memory_space<hbm>> -> memref<10112x64xf32, #tpu.memory_space<hbm>>
    %dma_start3A_29 = arith.constant 0 : i32
    %dma_start3A_30 = arith.constant 0 : i32
    %dma_start3A_31 = tpu.memref_slice %dma_start3A_28[%dma_start3A_29, %dma_start3A_30] : memref<10112x64xf32, #tpu.memory_space<hbm>> -> memref<10112x64xf32, #tpu.memory_space<hbm>>
    tpu.enqueue_indirect_dma source(%dma_start3A_31 : memref<10112x64xf32, #tpu.memory_space<hbm>>) target(%dma_start3A_21 : memref<128x64xf32, #tpu.memory_space<vmem>>) offsets(%dma_start3A_24 : memref<128xi32, #tpu.memory_space<vmem>>) semaphore(%arg11 : memref<!tpu.dma_semaphore, #tpu.memory_space<semaphore_mem>>)
    %dma_start3A_32 = arith.constant 2 : i32
    %dma_start3A_33 = arith.constant 1 : i32
    %dma_start3A_34 = arith.constant 0 : i32
    %dma_start3A_35 = arith.constant 0 : i32
    %dma_start3A_36 = tpu.memref_slice %arg9[%dma_start3A_33, %dma_start3A_34, %dma_start3A_35] : memref<2x256x64xf32, #tpu.memory_space<vmem>> -> memref<1x128x64xf32, #tpu.memory_space<vmem>>
    %dma_start3A_37 = tpu.memref_squeeze %dma_start3A_36 : memref<1x128x64xf32, #tpu.memory_space<vmem>> -> memref<128x64xf32, #tpu.memory_space<vmem>>
    %dma_start3A_38 = arith.constant 0 : i32
    %dma_start3A_39 = tpu.memref_slice %arg7[%dma_start3A_32, %dma_start3A_38] : memref<160x128xi32, #tpu.memory_space<vmem>> -> memref<1x128xi32, #tpu.memory_space<vmem>>
    %dma_start3A_40 = tpu.memref_squeeze %dma_start3A_39 : memref<1x128xi32, #tpu.memory_space<vmem>> -> memref<128xi32, #tpu.memory_space<vmem>>
    %dma_start3A_41 = arith.constant 0 : i32
    %dma_start3A_42 = arith.constant 0 : i32
    %dma_start3A_43 = tpu.memref_slice %arg2[%arg0, %dma_start3A_41, %dma_start3A_42] : memref<2x10112x64xf32, #tpu.memory_space<hbm>> -> memref<1x10112x64xf32, #tpu.memory_space<hbm>>
    %dma_start3A_44 = tpu.memref_squeeze %dma_start3A_43 : memref<1x10112x64xf32, #tpu.memory_space<hbm>> -> memref<10112x64xf32, #tpu.memory_space<hbm>>
    %dma_start3A_45 = arith.constant 0 : i32
    %dma_start3A_46 = arith.constant 0 : i32
    %dma_start3A_47 = tpu.memref_slice %dma_start3A_44[%dma_start3A_45, %dma_start3A_46] : memref<10112x64xf32, #tpu.memory_space<hbm>> -> memref<10112x64xf32, #tpu.memory_space<hbm>>
    tpu.enqueue_indirect_dma source(%dma_start3A_47 : memref<10112x64xf32, #tpu.memory_space<hbm>>) target(%dma_start3A_37 : memref<128x64xf32, #tpu.memory_space<vmem>>) offsets(%dma_start3A_40 : memref<128xi32, #tpu.memory_space<vmem>>) semaphore(%arg12 : memref<!tpu.dma_semaphore, #tpu.memory_space<semaphore_mem>>)
    %dma_start3A_48 = arith.constant 3 : i32
    %dma_start3A_49 = arith.constant 1 : i32
    %dma_start3A_50 = arith.constant 128 : i32
    %dma_start3A_51 = arith.constant 0 : i32
    %dma_start3A_52 = tpu.memref_slice %arg9[%dma_start3A_49, %dma_start3A_50, %dma_start3A_51] : memref<2x256x64xf32, #tpu.memory_space<vmem>> -> memref<1x128x64xf32, #tpu.memory_space<vmem>>
    %dma_start3A_53 = tpu.memref_squeeze %dma_start3A_52 : memref<1x128x64xf32, #tpu.memory_space<vmem>> -> memref<128x64xf32, #tpu.memory_space<vmem>>
    %dma_start3A_54 = arith.constant 0 : i32
    %dma_start3A_55 = tpu.memref_slice %arg7[%dma_start3A_48, %dma_start3A_54] : memref<160x128xi32, #tpu.memory_space<vmem>> -> memref<1x128xi32, #tpu.memory_space<vmem>>
    %dma_start3A_56 = tpu.memref_squeeze %dma_start3A_55 : memref<1x128xi32, #tpu.memory_space<vmem>> -> memref<128xi32, #tpu.memory_space<vmem>>
    %dma_start3A_57 = arith.constant 0 : i32
    %dma_start3A_58 = arith.constant 0 : i32
    %dma_start3A_59 = tpu.memref_slice %arg2[%arg0, %dma_start3A_57, %dma_start3A_58] : memref<2x10112x64xf32, #tpu.memory_space<hbm>> -> memref<1x10112x64xf32, #tpu.memory_space<hbm>>
    %dma_start3A_60 = tpu.memref_squeeze %dma_start3A_59 : memref<1x10112x64xf32, #tpu.memory_space<hbm>> -> memref<10112x64xf32, #tpu.memory_space<hbm>>
    %dma_start3A_61 = arith.constant 0 : i32
    %dma_start3A_62 = arith.constant 0 : i32
    %dma_start3A_63 = tpu.memref_slice %dma_start3A_60[%dma_start3A_61, %dma_start3A_62] : memref<10112x64xf32, #tpu.memory_space<hbm>> -> memref<10112x64xf32, #tpu.memory_space<hbm>>
    tpu.enqueue_indirect_dma source(%dma_start3A_63 : memref<10112x64xf32, #tpu.memory_space<hbm>>) target(%dma_start3A_53 : memref<128x64xf32, #tpu.memory_space<vmem>>) offsets(%dma_start3A_56 : memref<128xi32, #tpu.memory_space<vmem>>) semaphore(%arg12 : memref<!tpu.dma_semaphore, #tpu.memory_space<semaphore_mem>>)
    %mul3A_64 = arith.constant 632 : i32
    %mul3A_65 = arith.muli %arg1, %mul3A_64 : i32
    %mul3A_66 = arith.constant 632 : i32
    %mul3A_67 = arith.muli %arg1, %mul3A_66 : i32
    "tpu.region"() ({
      %run_scoped3A = tpu.sem_alloc : memref<!tpu.dma_semaphore, #tpu.memory_space<semaphore_mem>>
      %dma_start3A_78 = arith.constant 0 : i32
      %dma_start3A_79 = tpu.memref_slice %arg10[%mul3A_67, %dma_start3A_78] : memref<10112x64xf32, #tpu.memory_space<vmem_shared>> -> memref<632x64xf32, #tpu.memory_space<vmem_shared>>
      %dma_start3A_80 = arith.constant 0 : i32
      %dma_start3A_81 = tpu.memref_slice %arg5[%mul3A_65, %dma_start3A_80] : memref<10112x64xf32, #tpu.memory_space<hbm>> -> memref<632x64xf32, #tpu.memory_space<hbm>>
      tpu.enqueue_dma source(%dma_start3A_81 : memref<632x64xf32, #tpu.memory_space<hbm>>) target(%dma_start3A_79 : memref<632x64xf32, #tpu.memory_space<vmem_shared>>) target_semaphore(%run_scoped3A : memref<!tpu.dma_semaphore, #tpu.memory_space<semaphore_mem>>)
      %dma_wait3A = arith.constant 0 : i32
      %dma_wait3A_82 = tpu.memref_slice %arg10[%mul3A_67, %dma_wait3A] : memref<10112x64xf32, #tpu.memory_space<vmem_shared>> -> memref<632x64xf32, #tpu.memory_space<vmem_shared>>
      %dma_wait3A_83 = arith.constant 0 : i32
      %dma_wait3A_84 = tpu.memref_slice %arg5[%mul3A_65, %dma_wait3A_83] : memref<10112x64xf32, #tpu.memory_space<hbm>> -> memref<632x64xf32, #tpu.memory_space<hbm>>
      tpu.wait_dma2 semaphore(%run_scoped3A : memref<!tpu.dma_semaphore, #tpu.memory_space<semaphore_mem>>) src(%dma_wait3A_84 : memref<632x64xf32, #tpu.memory_space<hbm>>) dst(%dma_wait3A_82 : memref<632x64xf32, #tpu.memory_space<vmem_shared>>)
      tpu.yield
    }) : () -> ()
    %barrier3A = arith.constant 0 : index
    tpu.barrier barrier_id(%barrier3A)
    %scan3A = arith.constant 0 : i32
    %scan3A_68 = arith.constant 0 : i32
    %scan3A_69 = arith.constant 40 : i32
    %scan3A_70 = arith.addi %scan3A_68, %scan3A_69 : i32
    %scan3A_71 = arith.constant 1 : i32
    scf.for %scan3A_78 = %scan3A_68 to %scan3A_70 step %scan3A_71  : i32 {
      %mul3A_79 = arith.constant 2 : i32
      %mul3A_80 = arith.muli %scan3A_78, %mul3A_79 : i32
      %dma_wait3A = arith.constant 0 : i32
      %dma_wait3A_81 = arith.constant 0 : i32
      %dma_wait3A_82 = arith.constant 0 : i32
      %dma_wait3A_83 = tpu.memref_slice %arg9[%dma_wait3A, %dma_wait3A_81, %dma_wait3A_82] : memref<2x256x64xf32, #tpu.memory_space<vmem>> -> memref<1x256x64xf32, #tpu.memory_space<vmem>>
      %dma_wait3A_84 = tpu.memref_squeeze %dma_wait3A_83 : memref<1x256x64xf32, #tpu.memory_space<vmem>> -> memref<256x64xf32, #tpu.memory_space<vmem>>
      %dma_wait3A_85 = arith.constant 0 : i32
      %dma_wait3A_86 = arith.constant 0 : i32
      %dma_wait3A_87 = tpu.memref_slice %arg2[%arg0, %dma_wait3A_85, %dma_wait3A_86] : memref<2x10112x64xf32, #tpu.memory_space<hbm>> -> memref<1x10112x64xf32, #tpu.memory_space<hbm>>
      %dma_wait3A_88 = tpu.memref_squeeze %dma_wait3A_87 : memref<1x10112x64xf32, #tpu.memory_space<hbm>> -> memref<10112x64xf32, #tpu.memory_space<hbm>>
      %dma_wait3A_89 = arith.constant 0 : i32
      %dma_wait3A_90 = arith.constant 0 : i32
      %dma_wait3A_91 = tpu.memref_slice %dma_wait3A_88[%dma_wait3A_89, %dma_wait3A_90] : memref<10112x64xf32, #tpu.memory_space<hbm>> -> memref<256x64xf32, #tpu.memory_space<hbm>>
      %dma_wait3A_92 = arith.constant 0 : i32
      %dma_wait3A_93 = arith.constant 0 : i32
      %dma_wait3A_94 = tpu.memref_slice %arg9[%dma_wait3A, %dma_wait3A_92, %dma_wait3A_93] : memref<2x256x64xf32, #tpu.memory_space<vmem>> -> memref<1x256x64xf32, #tpu.memory_space<vmem>>
      %dma_wait3A_95 = tpu.memref_squeeze %dma_wait3A_94 : memref<1x256x64xf32, #tpu.memory_space<vmem>> -> memref<256x64xf32, #tpu.memory_space<vmem>>
      %dma_wait3A_96 = arith.constant 0 : i32
      %dma_wait3A_97 = arith.constant 0 : i32
      %dma_wait3A_98 = tpu.memref_slice %arg2[%arg0, %dma_wait3A_96, %dma_wait3A_97] : memref<2x10112x64xf32, #tpu.memory_space<hbm>> -> memref<1x10112x64xf32, #tpu.memory_space<hbm>>
      %dma_wait3A_99 = tpu.memref_squeeze %dma_wait3A_98 : memref<1x10112x64xf32, #tpu.memory_space<hbm>> -> memref<10112x64xf32, #tpu.memory_space<hbm>>
      %dma_wait3A_100 = arith.constant 0 : i32
      %dma_wait3A_101 = arith.constant 0 : i32
      %dma_wait3A_102 = tpu.memref_slice %dma_wait3A_99[%dma_wait3A_100, %dma_wait3A_101] : memref<10112x64xf32, #tpu.memory_space<hbm>> -> memref<256x64xf32, #tpu.memory_space<hbm>>
      tpu.wait_dma2 semaphore(%arg11 : memref<!tpu.dma_semaphore, #tpu.memory_space<semaphore_mem>>) src(%dma_wait3A_102 : memref<256x64xf32, #tpu.memory_space<hbm>>) dst(%dma_wait3A_95 : memref<256x64xf32, #tpu.memory_space<vmem>>)
      %mul3A_103 = arith.constant 2 : i32
      %mul3A_104 = arith.muli %mul3A_80, %mul3A_103 : i32
      %add3A = arith.constant 0 : i32
      %add3A_105 = arith.addi %mul3A_104, %add3A : i32
      %run_scoped3A = arith.constant 0 : i32
      "tpu.region"() ({
        %run_scoped3A_159 = tpu.sem_alloc : memref<!tpu.dma_semaphore, #tpu.memory_space<semaphore_mem>>
        %dma_start3A_160 = arith.constant 0 : i32
        %dma_start3A_161 = arith.constant 0 : i32
        %dma_start3A_162 = tpu.memref_slice %arg9[%run_scoped3A, %dma_start3A_160, %dma_start3A_161] : memref<2x256x64xf32, #tpu.memory_space<vmem>> -> memref<1x128x64xf32, #tpu.memory_space<vmem>>
        %dma_start3A_163 = tpu.memref_squeeze %dma_start3A_162 : memref<1x128x64xf32, #tpu.memory_space<vmem>> -> memref<128x64xf32, #tpu.memory_space<vmem>>
        %dma_start3A_164 = arith.constant 0 : i32
        %dma_start3A_165 = tpu.memref_slice %arg8[%add3A_105, %dma_start3A_164] : memref<160x128xi32, #tpu.memory_space<vmem>> -> memref<1x128xi32, #tpu.memory_space<vmem>>
        %dma_start3A_166 = tpu.memref_squeeze %dma_start3A_165 : memref<1x128xi32, #tpu.memory_space<vmem>> -> memref<128xi32, #tpu.memory_space<vmem>>
        %dma_start3A_167 = arith.constant 0 : i32
        %dma_start3A_168 = arith.constant 0 : i32
        %dma_start3A_169 = tpu.memref_slice %arg10[%dma_start3A_167, %dma_start3A_168] : memref<10112x64xf32, #tpu.memory_space<vmem_shared>> -> memref<10112x64xf32, #tpu.memory_space<vmem_shared>>
        tpu.enqueue_indirect_dma source(%dma_start3A_163 : memref<128x64xf32, #tpu.memory_space<vmem>>) target(%dma_start3A_169 : memref<10112x64xf32, #tpu.memory_space<vmem_shared>>) offsets(%dma_start3A_166 : memref<128xi32, #tpu.memory_space<vmem>>) semaphore(%run_scoped3A_159 : memref<!tpu.dma_semaphore, #tpu.memory_space<semaphore_mem>>) {add = true}
        %dma_wait3A_170 = arith.constant 0 : i32
        %dma_wait3A_171 = arith.constant 0 : i32
        %dma_wait3A_172 = tpu.memref_slice %arg9[%run_scoped3A, %dma_wait3A_170, %dma_wait3A_171] : memref<2x256x64xf32, #tpu.memory_space<vmem>> -> memref<1x128x64xf32, #tpu.memory_space<vmem>>
        %dma_wait3A_173 = tpu.memref_squeeze %dma_wait3A_172 : memref<1x128x64xf32, #tpu.memory_space<vmem>> -> memref<128x64xf32, #tpu.memory_space<vmem>>
        %dma_wait3A_174 = arith.constant 0 : i32
        %dma_wait3A_175 = tpu.memref_slice %arg8[%add3A_105, %dma_wait3A_174] : memref<160x128xi32, #tpu.memory_space<vmem>> -> memref<1x128xi32, #tpu.memory_space<vmem>>
        %dma_wait3A_176 = tpu.memref_squeeze %dma_wait3A_175 : memref<1x128xi32, #tpu.memory_space<vmem>> -> memref<128xi32, #tpu.memory_space<vmem>>
        %dma_wait3A_177 = arith.constant 0 : i32
        %dma_wait3A_178 = arith.constant 0 : i32
        %dma_wait3A_179 = tpu.memref_slice %arg10[%dma_wait3A_177, %dma_wait3A_178] : memref<10112x64xf32, #tpu.memory_space<vmem_shared>> -> memref<10112x64xf32, #tpu.memory_space<vmem_shared>>
        tpu.wait_indirect_dma semaphore(%run_scoped3A_159 : memref<!tpu.dma_semaphore, #tpu.memory_space<semaphore_mem>>) src(%dma_wait3A_173 : memref<128x64xf32, #tpu.memory_space<vmem>>) dst(%dma_wait3A_179 : memref<10112x64xf32, #tpu.memory_space<vmem_shared>>)
        tpu.yield
      }) : () -> ()
      %mul3A_106 = arith.constant 2 : i32
      %mul3A_107 = arith.muli %mul3A_80, %mul3A_106 : i32
      %add3A_108 = arith.constant 1 : i32
      %add3A_109 = arith.addi %mul3A_107, %add3A_108 : i32
      %run_scoped3A_110 = arith.constant 0 : i32
      "tpu.region"() ({
        %run_scoped3A_159 = tpu.sem_alloc : memref<!tpu.dma_semaphore, #tpu.memory_space<semaphore_mem>>
        %dma_start3A_160 = arith.constant 128 : i32
        %dma_start3A_161 = arith.constant 0 : i32
        %dma_start3A_162 = tpu.memref_slice %arg9[%run_scoped3A_110, %dma_start3A_160, %dma_start3A_161] : memref<2x256x64xf32, #tpu.memory_space<vmem>> -> memref<1x128x64xf32, #tpu.memory_space<vmem>>
        %dma_start3A_163 = tpu.memref_squeeze %dma_start3A_162 : memref<1x128x64xf32, #tpu.memory_space<vmem>> -> memref<128x64xf32, #tpu.memory_space<vmem>>
        %dma_start3A_164 = arith.constant 0 : i32
        %dma_start3A_165 = tpu.memref_slice %arg8[%add3A_109, %dma_start3A_164] : memref<160x128xi32, #tpu.memory_space<vmem>> -> memref<1x128xi32, #tpu.memory_space<vmem>>
        %dma_start3A_166 = tpu.memref_squeeze %dma_start3A_165 : memref<1x128xi32, #tpu.memory_space<vmem>> -> memref<128xi32, #tpu.memory_space<vmem>>
        %dma_start3A_167 = arith.constant 0 : i32
        %dma_start3A_168 = arith.constant 0 : i32
        %dma_start3A_169 = tpu.memref_slice %arg10[%dma_start3A_167, %dma_start3A_168] : memref<10112x64xf32, #tpu.memory_space<vmem_shared>> -> memref<10112x64xf32, #tpu.memory_space<vmem_shared>>
        tpu.enqueue_indirect_dma source(%dma_start3A_163 : memref<128x64xf32, #tpu.memory_space<vmem>>) target(%dma_start3A_169 : memref<10112x64xf32, #tpu.memory_space<vmem_shared>>) offsets(%dma_start3A_166 : memref<128xi32, #tpu.memory_space<vmem>>) semaphore(%run_scoped3A_159 : memref<!tpu.dma_semaphore, #tpu.memory_space<semaphore_mem>>) {add = true}
        %dma_wait3A_170 = arith.constant 128 : i32
        %dma_wait3A_171 = arith.constant 0 : i32
        %dma_wait3A_172 = tpu.memref_slice %arg9[%run_scoped3A_110, %dma_wait3A_170, %dma_wait3A_171] : memref<2x256x64xf32, #tpu.memory_space<vmem>> -> memref<1x128x64xf32, #tpu.memory_space<vmem>>
        %dma_wait3A_173 = tpu.memref_squeeze %dma_wait3A_172 : memref<1x128x64xf32, #tpu.memory_space<vmem>> -> memref<128x64xf32, #tpu.memory_space<vmem>>
        %dma_wait3A_174 = arith.constant 0 : i32
        %dma_wait3A_175 = tpu.memref_slice %arg8[%add3A_109, %dma_wait3A_174] : memref<160x128xi32, #tpu.memory_space<vmem>> -> memref<1x128xi32, #tpu.memory_space<vmem>>
        %dma_wait3A_176 = tpu.memref_squeeze %dma_wait3A_175 : memref<1x128xi32, #tpu.memory_space<vmem>> -> memref<128xi32, #tpu.memory_space<vmem>>
        %dma_wait3A_177 = arith.constant 0 : i32
        %dma_wait3A_178 = arith.constant 0 : i32
        %dma_wait3A_179 = tpu.memref_slice %arg10[%dma_wait3A_177, %dma_wait3A_178] : memref<10112x64xf32, #tpu.memory_space<vmem_shared>> -> memref<10112x64xf32, #tpu.memory_space<vmem_shared>>
        tpu.wait_indirect_dma semaphore(%run_scoped3A_159 : memref<!tpu.dma_semaphore, #tpu.memory_space<semaphore_mem>>) src(%dma_wait3A_173 : memref<128x64xf32, #tpu.memory_space<vmem>>) dst(%dma_wait3A_179 : memref<10112x64xf32, #tpu.memory_space<vmem_shared>>)
        tpu.yield
      }) : () -> ()
      %add3A_111 = arith.constant 2 : i32
      %add3A_112 = arith.addi %mul3A_80, %add3A_111 : i32
      %lt3A = arith.constant 80 : i32
      %lt3A_113 = arith.cmpi slt, %add3A_112, %lt3A : i32
      %convert_element_type3A = arith.extui %lt3A_113 : i1 to i32
      %cond3A = arith.constant 0 : i32
      %cond3A_114 = arith.cmpi ne, %convert_element_type3A, %cond3A : i32
      scf.if %cond3A_114 {
        %add3A_159 = arith.constant 2 : i32
        %add3A_160 = arith.addi %mul3A_80, %add3A_159 : i32
        %mul3A_161 = arith.constant 2 : i32
        %mul3A_162 = arith.muli %add3A_160, %mul3A_161 : i32
        %add3A_163 = arith.constant 0 : i32
        %add3A_164 = arith.addi %mul3A_162, %add3A_163 : i32
        %dma_start3A_165 = arith.constant 0 : i32
        %dma_start3A_166 = arith.constant 0 : i32
        %dma_start3A_167 = arith.constant 0 : i32
        %dma_start3A_168 = tpu.memref_slice %arg9[%dma_start3A_165, %dma_start3A_166, %dma_start3A_167] : memref<2x256x64xf32, #tpu.memory_space<vmem>> -> memref<1x128x64xf32, #tpu.memory_space<vmem>>
        %dma_start3A_169 = tpu.memref_squeeze %dma_start3A_168 : memref<1x128x64xf32, #tpu.memory_space<vmem>> -> memref<128x64xf32, #tpu.memory_space<vmem>>
        %dma_start3A_170 = arith.constant 0 : i32
        %dma_start3A_171 = tpu.memref_slice %arg7[%add3A_164, %dma_start3A_170] : memref<160x128xi32, #tpu.memory_space<vmem>> -> memref<1x128xi32, #tpu.memory_space<vmem>>
        %dma_start3A_172 = tpu.memref_squeeze %dma_start3A_171 : memref<1x128xi32, #tpu.memory_space<vmem>> -> memref<128xi32, #tpu.memory_space<vmem>>
        %dma_start3A_173 = arith.constant 0 : i32
        %dma_start3A_174 = arith.constant 0 : i32
        %dma_start3A_175 = tpu.memref_slice %arg2[%arg0, %dma_start3A_173, %dma_start3A_174] : memref<2x10112x64xf32, #tpu.memory_space<hbm>> -> memref<1x10112x64xf32, #tpu.memory_space<hbm>>
        %dma_start3A_176 = tpu.memref_squeeze %dma_start3A_175 : memref<1x10112x64xf32, #tpu.memory_space<hbm>> -> memref<10112x64xf32, #tpu.memory_space<hbm>>
        %dma_start3A_177 = arith.constant 0 : i32
        %dma_start3A_178 = arith.constant 0 : i32
        %dma_start3A_179 = tpu.memref_slice %dma_start3A_176[%dma_start3A_177, %dma_start3A_178] : memref<10112x64xf32, #tpu.memory_space<hbm>> -> memref<10112x64xf32, #tpu.memory_space<hbm>>
        tpu.enqueue_indirect_dma source(%dma_start3A_179 : memref<10112x64xf32, #tpu.memory_space<hbm>>) target(%dma_start3A_169 : memref<128x64xf32, #tpu.memory_space<vmem>>) offsets(%dma_start3A_172 : memref<128xi32, #tpu.memory_space<vmem>>) semaphore(%arg11 : memref<!tpu.dma_semaphore, #tpu.memory_space<semaphore_mem>>)
        %mul3A_180 = arith.constant 2 : i32
        %mul3A_181 = arith.muli %add3A_160, %mul3A_180 : i32
        %add3A_182 = arith.constant 1 : i32
        %add3A_183 = arith.addi %mul3A_181, %add3A_182 : i32
        %dma_start3A_184 = arith.constant 0 : i32
        %dma_start3A_185 = arith.constant 128 : i32
        %dma_start3A_186 = arith.constant 0 : i32
        %dma_start3A_187 = tpu.memref_slice %arg9[%dma_start3A_184, %dma_start3A_185, %dma_start3A_186] : memref<2x256x64xf32, #tpu.memory_space<vmem>> -> memref<1x128x64xf32, #tpu.memory_space<vmem>>
        %dma_start3A_188 = tpu.memref_squeeze %dma_start3A_187 : memref<1x128x64xf32, #tpu.memory_space<vmem>> -> memref<128x64xf32, #tpu.memory_space<vmem>>
        %dma_start3A_189 = arith.constant 0 : i32
        %dma_start3A_190 = tpu.memref_slice %arg7[%add3A_183, %dma_start3A_189] : memref<160x128xi32, #tpu.memory_space<vmem>> -> memref<1x128xi32, #tpu.memory_space<vmem>>
        %dma_start3A_191 = tpu.memref_squeeze %dma_start3A_190 : memref<1x128xi32, #tpu.memory_space<vmem>> -> memref<128xi32, #tpu.memory_space<vmem>>
        %dma_start3A_192 = arith.constant 0 : i32
        %dma_start3A_193 = arith.constant 0 : i32
        %dma_start3A_194 = tpu.memref_slice %arg2[%arg0, %dma_start3A_192, %dma_start3A_193] : memref<2x10112x64xf32, #tpu.memory_space<hbm>> -> memref<1x10112x64xf32, #tpu.memory_space<hbm>>
        %dma_start3A_195 = tpu.memref_squeeze %dma_start3A_194 : memref<1x10112x64xf32, #tpu.memory_space<hbm>> -> memref<10112x64xf32, #tpu.memory_space<hbm>>
        %dma_start3A_196 = arith.constant 0 : i32
        %dma_start3A_197 = arith.constant 0 : i32
        %dma_start3A_198 = tpu.memref_slice %dma_start3A_195[%dma_start3A_196, %dma_start3A_197] : memref<10112x64xf32, #tpu.memory_space<hbm>> -> memref<10112x64xf32, #tpu.memory_space<hbm>>
        tpu.enqueue_indirect_dma source(%dma_start3A_198 : memref<10112x64xf32, #tpu.memory_space<hbm>>) target(%dma_start3A_188 : memref<128x64xf32, #tpu.memory_space<vmem>>) offsets(%dma_start3A_191 : memref<128xi32, #tpu.memory_space<vmem>>) semaphore(%arg11 : memref<!tpu.dma_semaphore, #tpu.memory_space<semaphore_mem>>)
      } else {
      }
      %mul3A_115 = arith.constant 2 : i32
      %mul3A_116 = arith.muli %scan3A_78, %mul3A_115 : i32
      %add3A_117 = arith.constant 1 : i32
      %add3A_118 = arith.addi %mul3A_116, %add3A_117 : i32
      %dma_wait3A_119 = arith.constant 1 : i32
      %dma_wait3A_120 = arith.constant 0 : i32
      %dma_wait3A_121 = arith.constant 0 : i32
      %dma_wait3A_122 = tpu.memref_slice %arg9[%dma_wait3A_119, %dma_wait3A_120, %dma_wait3A_121] : memref<2x256x64xf32, #tpu.memory_space<vmem>> -> memref<1x256x64xf32, #tpu.memory_space<vmem>>
      %dma_wait3A_123 = tpu.memref_squeeze %dma_wait3A_122 : memref<1x256x64xf32, #tpu.memory_space<vmem>> -> memref<256x64xf32, #tpu.memory_space<vmem>>
      %dma_wait3A_124 = arith.constant 0 : i32
      %dma_wait3A_125 = arith.constant 0 : i32
      %dma_wait3A_126 = tpu.memref_slice %arg2[%arg0, %dma_wait3A_124, %dma_wait3A_125] : memref<2x10112x64xf32, #tpu.memory_space<hbm>> -> memref<1x10112x64xf32, #tpu.memory_space<hbm>>
      %dma_wait3A_127 = tpu.memref_squeeze %dma_wait3A_126 : memref<1x10112x64xf32, #tpu.memory_space<hbm>> -> memref<10112x64xf32, #tpu.memory_space<hbm>>
      %dma_wait3A_128 = arith.constant 0 : i32
      %dma_wait3A_129 = arith.constant 0 : i32
      %dma_wait3A_130 = tpu.memref_slice %dma_wait3A_127[%dma_wait3A_128, %dma_wait3A_129] : memref<10112x64xf32, #tpu.memory_space<hbm>> -> memref<256x64xf32, #tpu.memory_space<hbm>>
      %dma_wait3A_131 = arith.constant 0 : i32
      %dma_wait3A_132 = arith.constant 0 : i32
      %dma_wait3A_133 = tpu.memref_slice %arg9[%dma_wait3A_119, %dma_wait3A_131, %dma_wait3A_132] : memref<2x256x64xf32, #tpu.memory_space<vmem>> -> memref<1x256x64xf32, #tpu.memory_space<vmem>>
      %dma_wait3A_134 = tpu.memref_squeeze %dma_wait3A_133 : memref<1x256x64xf32, #tpu.memory_space<vmem>> -> memref<256x64xf32, #tpu.memory_space<vmem>>
      %dma_wait3A_135 = arith.constant 0 : i32
      %dma_wait3A_136 = arith.constant 0 : i32
      %dma_wait3A_137 = tpu.memref_slice %arg2[%arg0, %dma_wait3A_135, %dma_wait3A_136] : memref<2x10112x64xf32, #tpu.memory_space<hbm>> -> memref<1x10112x64xf32, #tpu.memory_space<hbm>>
      %dma_wait3A_138 = tpu.memref_squeeze %dma_wait3A_137 : memref<1x10112x64xf32, #tpu.memory_space<hbm>> -> memref<10112x64xf32, #tpu.memory_space<hbm>>
      %dma_wait3A_139 = arith.constant 0 : i32
      %dma_wait3A_140 = arith.constant 0 : i32
      %dma_wait3A_141 = tpu.memref_slice %dma_wait3A_138[%dma_wait3A_139, %dma_wait3A_140] : memref<10112x64xf32, #tpu.memory_space<hbm>> -> memref<256x64xf32, #tpu.memory_space<hbm>>
      tpu.wait_dma2 semaphore(%arg12 : memref<!tpu.dma_semaphore, #tpu.memory_space<semaphore_mem>>) src(%dma_wait3A_141 : memref<256x64xf32, #tpu.memory_space<hbm>>) dst(%dma_wait3A_134 : memref<256x64xf32, #tpu.memory_space<vmem>>)
      %mul3A_142 = arith.constant 2 : i32
      %mul3A_143 = arith.muli %add3A_118, %mul3A_142 : i32
      %add3A_144 = arith.constant 0 : i32
      %add3A_145 = arith.addi %mul3A_143, %add3A_144 : i32
      %run_scoped3A_146 = arith.constant 1 : i32
      "tpu.region"() ({
        %run_scoped3A_159 = tpu.sem_alloc : memref<!tpu.dma_semaphore, #tpu.memory_space<semaphore_mem>>
        %dma_start3A_160 = arith.constant 0 : i32
        %dma_start3A_161 = arith.constant 0 : i32
        %dma_start3A_162 = tpu.memref_slice %arg9[%run_scoped3A_146, %dma_start3A_160, %dma_start3A_161] : memref<2x256x64xf32, #tpu.memory_space<vmem>> -> memref<1x128x64xf32, #tpu.memory_space<vmem>>
        %dma_start3A_163 = tpu.memref_squeeze %dma_start3A_162 : memref<1x128x64xf32, #tpu.memory_space<vmem>> -> memref<128x64xf32, #tpu.memory_space<vmem>>
        %dma_start3A_164 = arith.constant 0 : i32
        %dma_start3A_165 = tpu.memref_slice %arg8[%add3A_145, %dma_start3A_164] : memref<160x128xi32, #tpu.memory_space<vmem>> -> memref<1x128xi32, #tpu.memory_space<vmem>>
        %dma_start3A_166 = tpu.memref_squeeze %dma_start3A_165 : memref<1x128xi32, #tpu.memory_space<vmem>> -> memref<128xi32, #tpu.memory_space<vmem>>
        %dma_start3A_167 = arith.constant 0 : i32
        %dma_start3A_168 = arith.constant 0 : i32
        %dma_start3A_169 = tpu.memref_slice %arg10[%dma_start3A_167, %dma_start3A_168] : memref<10112x64xf32, #tpu.memory_space<vmem_shared>> -> memref<10112x64xf32, #tpu.memory_space<vmem_shared>>
        tpu.enqueue_indirect_dma source(%dma_start3A_163 : memref<128x64xf32, #tpu.memory_space<vmem>>) target(%dma_start3A_169 : memref<10112x64xf32, #tpu.memory_space<vmem_shared>>) offsets(%dma_start3A_166 : memref<128xi32, #tpu.memory_space<vmem>>) semaphore(%run_scoped3A_159 : memref<!tpu.dma_semaphore, #tpu.memory_space<semaphore_mem>>) {add = true}
        %dma_wait3A_170 = arith.constant 0 : i32
        %dma_wait3A_171 = arith.constant 0 : i32
        %dma_wait3A_172 = tpu.memref_slice %arg9[%run_scoped3A_146, %dma_wait3A_170, %dma_wait3A_171] : memref<2x256x64xf32, #tpu.memory_space<vmem>> -> memref<1x128x64xf32, #tpu.memory_space<vmem>>
        %dma_wait3A_173 = tpu.memref_squeeze %dma_wait3A_172 : memref<1x128x64xf32, #tpu.memory_space<vmem>> -> memref<128x64xf32, #tpu.memory_space<vmem>>
        %dma_wait3A_174 = arith.constant 0 : i32
        %dma_wait3A_175 = tpu.memref_slice %arg8[%add3A_145, %dma_wait3A_174] : memref<160x128xi32, #tpu.memory_space<vmem>> -> memref<1x128xi32, #tpu.memory_space<vmem>>
        %dma_wait3A_176 = tpu.memref_squeeze %dma_wait3A_175 : memref<1x128xi32, #tpu.memory_space<vmem>> -> memref<128xi32, #tpu.memory_space<vmem>>
        %dma_wait3A_177 = arith.constant 0 : i32
        %dma_wait3A_178 = arith.constant 0 : i32
        %dma_wait3A_179 = tpu.memref_slice %arg10[%dma_wait3A_177, %dma_wait3A_178] : memref<10112x64xf32, #tpu.memory_space<vmem_shared>> -> memref<10112x64xf32, #tpu.memory_space<vmem_shared>>
        tpu.wait_indirect_dma semaphore(%run_scoped3A_159 : memref<!tpu.dma_semaphore, #tpu.memory_space<semaphore_mem>>) src(%dma_wait3A_173 : memref<128x64xf32, #tpu.memory_space<vmem>>) dst(%dma_wait3A_179 : memref<10112x64xf32, #tpu.memory_space<vmem_shared>>)
        tpu.yield
      }) : () -> ()
      %mul3A_147 = arith.constant 2 : i32
      %mul3A_148 = arith.muli %add3A_118, %mul3A_147 : i32
      %add3A_149 = arith.constant 1 : i32
      %add3A_150 = arith.addi %mul3A_148, %add3A_149 : i32
      %run_scoped3A_151 = arith.constant 1 : i32
      "tpu.region"() ({
        %run_scoped3A_159 = tpu.sem_alloc : memref<!tpu.dma_semaphore, #tpu.memory_space<semaphore_mem>>
        %dma_start3A_160 = arith.constant 128 : i32
        %dma_start3A_161 = arith.constant 0 : i32
        %dma_start3A_162 = tpu.memref_slice %arg9[%run_scoped3A_151, %dma_start3A_160, %dma_start3A_161] : memref<2x256x64xf32, #tpu.memory_space<vmem>> -> memref<1x128x64xf32, #tpu.memory_space<vmem>>
        %dma_start3A_163 = tpu.memref_squeeze %dma_start3A_162 : memref<1x128x64xf32, #tpu.memory_space<vmem>> -> memref<128x64xf32, #tpu.memory_space<vmem>>
        %dma_start3A_164 = arith.constant 0 : i32
        %dma_start3A_165 = tpu.memref_slice %arg8[%add3A_150, %dma_start3A_164] : memref<160x128xi32, #tpu.memory_space<vmem>> -> memref<1x128xi32, #tpu.memory_space<vmem>>
        %dma_start3A_166 = tpu.memref_squeeze %dma_start3A_165 : memref<1x128xi32, #tpu.memory_space<vmem>> -> memref<128xi32, #tpu.memory_space<vmem>>
        %dma_start3A_167 = arith.constant 0 : i32
        %dma_start3A_168 = arith.constant 0 : i32
        %dma_start3A_169 = tpu.memref_slice %arg10[%dma_start3A_167, %dma_start3A_168] : memref<10112x64xf32, #tpu.memory_space<vmem_shared>> -> memref<10112x64xf32, #tpu.memory_space<vmem_shared>>
        tpu.enqueue_indirect_dma source(%dma_start3A_163 : memref<128x64xf32, #tpu.memory_space<vmem>>) target(%dma_start3A_169 : memref<10112x64xf32, #tpu.memory_space<vmem_shared>>) offsets(%dma_start3A_166 : memref<128xi32, #tpu.memory_space<vmem>>) semaphore(%run_scoped3A_159 : memref<!tpu.dma_semaphore, #tpu.memory_space<semaphore_mem>>) {add = true}
        %dma_wait3A_170 = arith.constant 128 : i32
        %dma_wait3A_171 = arith.constant 0 : i32
        %dma_wait3A_172 = tpu.memref_slice %arg9[%run_scoped3A_151, %dma_wait3A_170, %dma_wait3A_171] : memref<2x256x64xf32, #tpu.memory_space<vmem>> -> memref<1x128x64xf32, #tpu.memory_space<vmem>>
        %dma_wait3A_173 = tpu.memref_squeeze %dma_wait3A_172 : memref<1x128x64xf32, #tpu.memory_space<vmem>> -> memref<128x64xf32, #tpu.memory_space<vmem>>
        %dma_wait3A_174 = arith.constant 0 : i32
        %dma_wait3A_175 = tpu.memref_slice %arg8[%add3A_150, %dma_wait3A_174] : memref<160x128xi32, #tpu.memory_space<vmem>> -> memref<1x128xi32, #tpu.memory_space<vmem>>
        %dma_wait3A_176 = tpu.memref_squeeze %dma_wait3A_175 : memref<1x128xi32, #tpu.memory_space<vmem>> -> memref<128xi32, #tpu.memory_space<vmem>>
        %dma_wait3A_177 = arith.constant 0 : i32
        %dma_wait3A_178 = arith.constant 0 : i32
        %dma_wait3A_179 = tpu.memref_slice %arg10[%dma_wait3A_177, %dma_wait3A_178] : memref<10112x64xf32, #tpu.memory_space<vmem_shared>> -> memref<10112x64xf32, #tpu.memory_space<vmem_shared>>
        tpu.wait_indirect_dma semaphore(%run_scoped3A_159 : memref<!tpu.dma_semaphore, #tpu.memory_space<semaphore_mem>>) src(%dma_wait3A_173 : memref<128x64xf32, #tpu.memory_space<vmem>>) dst(%dma_wait3A_179 : memref<10112x64xf32, #tpu.memory_space<vmem_shared>>)
        tpu.yield
      }) : () -> ()
      %add3A_152 = arith.constant 2 : i32
      %add3A_153 = arith.addi %add3A_118, %add3A_152 : i32
      %lt3A_154 = arith.constant 80 : i32
      %lt3A_155 = arith.cmpi slt, %add3A_153, %lt3A_154 : i32
      %convert_element_type3A_156 = arith.extui %lt3A_155 : i1 to i32
      %cond3A_157 = arith.constant 0 : i32
      %cond3A_158 = arith.cmpi ne, %convert_element_type3A_156, %cond3A_157 : i32
      scf.if %cond3A_158 {
        %add3A_159 = arith.constant 2 : i32
        %add3A_160 = arith.addi %add3A_118, %add3A_159 : i32
        %mul3A_161 = arith.constant 2 : i32
        %mul3A_162 = arith.muli %add3A_160, %mul3A_161 : i32
        %add3A_163 = arith.constant 0 : i32
        %add3A_164 = arith.addi %mul3A_162, %add3A_163 : i32
        %dma_start3A_165 = arith.constant 1 : i32
        %dma_start3A_166 = arith.constant 0 : i32
        %dma_start3A_167 = arith.constant 0 : i32
        %dma_start3A_168 = tpu.memref_slice %arg9[%dma_start3A_165, %dma_start3A_166, %dma_start3A_167] : memref<2x256x64xf32, #tpu.memory_space<vmem>> -> memref<1x128x64xf32, #tpu.memory_space<vmem>>
        %dma_start3A_169 = tpu.memref_squeeze %dma_start3A_168 : memref<1x128x64xf32, #tpu.memory_space<vmem>> -> memref<128x64xf32, #tpu.memory_space<vmem>>
        %dma_start3A_170 = arith.constant 0 : i32
        %dma_start3A_171 = tpu.memref_slice %arg7[%add3A_164, %dma_start3A_170] : memref<160x128xi32, #tpu.memory_space<vmem>> -> memref<1x128xi32, #tpu.memory_space<vmem>>
        %dma_start3A_172 = tpu.memref_squeeze %dma_start3A_171 : memref<1x128xi32, #tpu.memory_space<vmem>> -> memref<128xi32, #tpu.memory_space<vmem>>
        %dma_start3A_173 = arith.constant 0 : i32
        %dma_start3A_174 = arith.constant 0 : i32
        %dma_start3A_175 = tpu.memref_slice %arg2[%arg0, %dma_start3A_173, %dma_start3A_174] : memref<2x10112x64xf32, #tpu.memory_space<hbm>> -> memref<1x10112x64xf32, #tpu.memory_space<hbm>>
        %dma_start3A_176 = tpu.memref_squeeze %dma_start3A_175 : memref<1x10112x64xf32, #tpu.memory_space<hbm>> -> memref<10112x64xf32, #tpu.memory_space<hbm>>
        %dma_start3A_177 = arith.constant 0 : i32
        %dma_start3A_178 = arith.constant 0 : i32
        %dma_start3A_179 = tpu.memref_slice %dma_start3A_176[%dma_start3A_177, %dma_start3A_178] : memref<10112x64xf32, #tpu.memory_space<hbm>> -> memref<10112x64xf32, #tpu.memory_space<hbm>>
        tpu.enqueue_indirect_dma source(%dma_start3A_179 : memref<10112x64xf32, #tpu.memory_space<hbm>>) target(%dma_start3A_169 : memref<128x64xf32, #tpu.memory_space<vmem>>) offsets(%dma_start3A_172 : memref<128xi32, #tpu.memory_space<vmem>>) semaphore(%arg12 : memref<!tpu.dma_semaphore, #tpu.memory_space<semaphore_mem>>)
        %mul3A_180 = arith.constant 2 : i32
        %mul3A_181 = arith.muli %add3A_160, %mul3A_180 : i32
        %add3A_182 = arith.constant 1 : i32
        %add3A_183 = arith.addi %mul3A_181, %add3A_182 : i32
        %dma_start3A_184 = arith.constant 1 : i32
        %dma_start3A_185 = arith.constant 128 : i32
        %dma_start3A_186 = arith.constant 0 : i32
        %dma_start3A_187 = tpu.memref_slice %arg9[%dma_start3A_184, %dma_start3A_185, %dma_start3A_186] : memref<2x256x64xf32, #tpu.memory_space<vmem>> -> memref<1x128x64xf32, #tpu.memory_space<vmem>>
        %dma_start3A_188 = tpu.memref_squeeze %dma_start3A_187 : memref<1x128x64xf32, #tpu.memory_space<vmem>> -> memref<128x64xf32, #tpu.memory_space<vmem>>
        %dma_start3A_189 = arith.constant 0 : i32
        %dma_start3A_190 = tpu.memref_slice %arg7[%add3A_183, %dma_start3A_189] : memref<160x128xi32, #tpu.memory_space<vmem>> -> memref<1x128xi32, #tpu.memory_space<vmem>>
        %dma_start3A_191 = tpu.memref_squeeze %dma_start3A_190 : memref<1x128xi32, #tpu.memory_space<vmem>> -> memref<128xi32, #tpu.memory_space<vmem>>
        %dma_start3A_192 = arith.constant 0 : i32
        %dma_start3A_193 = arith.constant 0 : i32
        %dma_start3A_194 = tpu.memref_slice %arg2[%arg0, %dma_start3A_192, %dma_start3A_193] : memref<2x10112x64xf32, #tpu.memory_space<hbm>> -> memref<1x10112x64xf32, #tpu.memory_space<hbm>>
        %dma_start3A_195 = tpu.memref_squeeze %dma_start3A_194 : memref<1x10112x64xf32, #tpu.memory_space<hbm>> -> memref<10112x64xf32, #tpu.memory_space<hbm>>
        %dma_start3A_196 = arith.constant 0 : i32
        %dma_start3A_197 = arith.constant 0 : i32
        %dma_start3A_198 = tpu.memref_slice %dma_start3A_195[%dma_start3A_196, %dma_start3A_197] : memref<10112x64xf32, #tpu.memory_space<hbm>> -> memref<10112x64xf32, #tpu.memory_space<hbm>>
        tpu.enqueue_indirect_dma source(%dma_start3A_198 : memref<10112x64xf32, #tpu.memory_space<hbm>>) target(%dma_start3A_188 : memref<128x64xf32, #tpu.memory_space<vmem>>) offsets(%dma_start3A_191 : memref<128xi32, #tpu.memory_space<vmem>>) semaphore(%arg12 : memref<!tpu.dma_semaphore, #tpu.memory_space<semaphore_mem>>)
      } else {
      }
    }
    %scan3A_72 = arith.constant 40 : i32
    %barrier3A_73 = arith.constant 0 : index
    tpu.barrier barrier_id(%barrier3A_73)
    %mul3A_74 = arith.constant 632 : i32
    %mul3A_75 = arith.muli %arg1, %mul3A_74 : i32
    %mul3A_76 = arith.constant 632 : i32
    %mul3A_77 = arith.muli %arg1, %mul3A_76 : i32
    "tpu.region"() ({
      %run_scoped3A = tpu.sem_alloc : memref<!tpu.dma_semaphore, #tpu.memory_space<semaphore_mem>>
      %dma_start3A_78 = arith.constant 0 : i32
      %dma_start3A_79 = tpu.memref_slice %arg6[%arg0, %mul3A_77, %dma_start3A_78] : memref<2x10112x64xf32, #tpu.memory_space<hbm>> -> memref<1x632x64xf32, #tpu.memory_space<hbm>>
      %dma_start3A_80 = tpu.memref_squeeze %dma_start3A_79 : memref<1x632x64xf32, #tpu.memory_space<hbm>> -> memref<632x64xf32, #tpu.memory_space<hbm>>
      %dma_start3A_81 = arith.constant 0 : i32
      %dma_start3A_82 = tpu.memref_slice %arg10[%mul3A_75, %dma_start3A_81] : memref<10112x64xf32, #tpu.memory_space<vmem_shared>> -> memref<632x64xf32, #tpu.memory_space<vmem_shared>>
      tpu.enqueue_dma source(%dma_start3A_82 : memref<632x64xf32, #tpu.memory_space<vmem_shared>>) target(%dma_start3A_80 : memref<632x64xf32, #tpu.memory_space<hbm>>) target_semaphore(%run_scoped3A : memref<!tpu.dma_semaphore, #tpu.memory_space<semaphore_mem>>)
      %dma_wait3A = arith.constant 0 : i32
      %dma_wait3A_83 = tpu.memref_slice %arg6[%arg0, %mul3A_77, %dma_wait3A] : memref<2x10112x64xf32, #tpu.memory_space<hbm>> -> memref<1x632x64xf32, #tpu.memory_space<hbm>>
      %dma_wait3A_84 = tpu.memref_squeeze %dma_wait3A_83 : memref<1x632x64xf32, #tpu.memory_space<hbm>> -> memref<632x64xf32, #tpu.memory_space<hbm>>
      %dma_wait3A_85 = arith.constant 0 : i32
      %dma_wait3A_86 = tpu.memref_slice %arg10[%mul3A_75, %dma_wait3A_85] : memref<10112x64xf32, #tpu.memory_space<vmem_shared>> -> memref<632x64xf32, #tpu.memory_space<vmem_shared>>
      tpu.wait_dma2 semaphore(%run_scoped3A : memref<!tpu.dma_semaphore, #tpu.memory_space<semaphore_mem>>) src(%dma_wait3A_86 : memref<632x64xf32, #tpu.memory_space<vmem_shared>>) dst(%dma_wait3A_84 : memref<632x64xf32, #tpu.memory_space<hbm>>)
      tpu.yield
    }) : () -> ()
    return
  }
}

module attributes {stable_mosaic.version = 14 : i64} {
  func.func @_tc1_body(%arg0: i32, %arg1: memref<400x128xf32, #tpu.memory_space<vmem>>, %arg2: memref<128x128xf32, #tpu.memory_space<vmem>>, %arg3: memref<400x32xf32, #tpu.memory_space<vmem>>, %arg4: memref<2x400x64xf32, #tpu.memory_space<vmem>>) attributes {dimension_semantics = [#tpu.dimension_semantics<arbitrary>], iteration_bounds = array<i64: 25>, scalar_prefetch = 0 : i64, scratch_operands = 0 : i64, tpu.core_type = #tpu.core_type<tc>, window_params = [{transform_indices = @transform_0, window_bounds = array<i64: 400, 128>}, {pipeline_mode = #tpu.pipeline_mode<synchronous>, transform_indices = @transform_1, window_bounds = array<i64: 128, 128>}, {transform_indices = @transform_2, window_bounds = array<i64: 400, 32>}, {transform_indices = @transform_3, window_bounds = array<i64: 2, 400, 64>}]} {
    %get3A = arith.constant 0 : index
    %get3A_0 = arith.constant 0 : index
    %get3A_1 = vector.load %arg3[%get3A, %get3A_0] : memref<400x32xf32, #tpu.memory_space<vmem>>, vector<400x32xf32>
    %reduce_sum3A = arith.constant dense<0.000000e+00> : vector<400xf32>
    %reduce_sum3A_2 = vector.multi_reduction <add>, %get3A_1, %reduce_sum3A [1] : vector<400x32xf32> to vector<400xf32>
    %add3A = arith.constant 1.000000e+00 : f32
    %add3A_3 = vector.broadcast %add3A : f32 to vector<400xf32>
    %add3A_4 = arith.addf %reduce_sum3A_2, %add3A_3 : vector<400xf32>
    %rsqrt3A = math.rsqrt %add3A_4 : vector<400xf32>
    %get3A_5 = arith.constant 0 : index
    %get3A_6 = arith.constant 0 : index
    %get3A_7 = vector.load %arg1[%get3A_5, %get3A_6] : memref<400x128xf32, #tpu.memory_space<vmem>>, vector<400x128xf32>
    %get3A_8 = arith.constant 0 : index
    %get3A_9 = arith.constant 0 : index
    %get3A_10 = vector.load %arg2[%get3A_8, %get3A_9] : memref<128x128xf32, #tpu.memory_space<vmem>>, vector<128x128xf32>
    %dot_general3A = arith.constant dense<0.000000e+00> : vector<400x128xf32>
    %dot_general3A_11 = tpu.matmul %get3A_7, %get3A_10, %dot_general3A {dimension_numbers = #tpu.dot_dimension_numbers<[1], [0], [0], [1], [0, 0, 1, 1], [], []>, transpose_lhs_hint = false} : vector<400x128xf32>, vector<128x128xf32>, vector<400x128xf32> -> vector<400x128xf32>
    %broadcast_in_dim3A = vector.shape_cast %rsqrt3A : vector<400xf32> to vector<400x1xf32>
    %mul3A = vector.broadcast %broadcast_in_dim3A : vector<400x1xf32> to vector<400x128xf32>
    %mul3A_12 = arith.mulf %dot_general3A_11, %mul3A : vector<400x128xf32>
    %slice3A = vector.extract_strided_slice %mul3A_12 {offsets = [0, 0], sizes = [400, 64], strides = [1, 1]} : vector<400x128xf32> to vector<400x64xf32>
    %swap3A = arith.constant 0 : index
    %swap3A_13 = arith.constant 0 : index
    %swap3A_14 = arith.constant 0 : index
    %swap3A_15 = vector.load %arg4[%swap3A, %swap3A_13, %swap3A_14] : memref<2x400x64xf32, #tpu.memory_space<vmem>>, vector<1x400x64xf32>
    %swap3A_16 = vector.shape_cast %swap3A_15 : vector<1x400x64xf32> to vector<400x64xf32>
    %swap3A_17 = vector.shape_cast %slice3A : vector<400x64xf32> to vector<1x400x64xf32>
    tpu.vector_store %arg4[%swap3A, %swap3A_13, %swap3A_14], %swap3A_17 {strides = array<i32>} : memref<2x400x64xf32, #tpu.memory_space<vmem>>, vector<1x400x64xf32>,
    %slice3A_18 = vector.extract_strided_slice %mul3A_12 {offsets = [0, 64], sizes = [400, 64], strides = [1, 1]} : vector<400x128xf32> to vector<400x64xf32>
    %swap3A_19 = arith.constant 1 : index
    %swap3A_20 = arith.constant 0 : index
    %swap3A_21 = arith.constant 0 : index
    %swap3A_22 = vector.load %arg4[%swap3A_19, %swap3A_20, %swap3A_21] : memref<2x400x64xf32, #tpu.memory_space<vmem>>, vector<1x400x64xf32>
    %swap3A_23 = vector.shape_cast %swap3A_22 : vector<1x400x64xf32> to vector<400x64xf32>
    %swap3A_24 = vector.shape_cast %slice3A_18 : vector<400x64xf32> to vector<1x400x64xf32>
    tpu.vector_store %arg4[%swap3A_19, %swap3A_20, %swap3A_21], %swap3A_24 {strides = array<i32>} : memref<2x400x64xf32, #tpu.memory_space<vmem>>, vector<1x400x64xf32>,
    return
  }
  func.func @transform_0(%arg0: i32) -> (i32, i32) {
    %c0_i32 = arith.constant 0 : i32
    %c0_i32_0 = arith.constant 0 : i32
    return %arg0, %c0_i32 : i32, i32
  }
  func.func @transform_1(%arg0: i32) -> (i32, i32) {
    %c0_i32 = arith.constant 0 : i32
    %c0_i32_0 = arith.constant 0 : i32
    %c0_i32_1 = arith.constant 0 : i32
    return %c0_i32, %c0_i32_0 : i32, i32
  }
  func.func @transform_2(%arg0: i32) -> (i32, i32) {
    %c0_i32 = arith.constant 0 : i32
    %c0_i32_0 = arith.constant 0 : i32
    return %arg0, %c0_i32 : i32, i32
  }
  func.func @transform_3(%arg0: i32) -> (i32, i32, i32) {
    %c0_i32 = arith.constant 0 : i32
    %c0_i32_0 = arith.constant 0 : i32
    %c0_i32_1 = arith.constant 0 : i32
    return %c0_i32, %arg0, %c0_i32_0 : i32, i32, i32
  }
}

module attributes {stable_mosaic.version = 14 : i64} {
  func.func @_tc2_body(%arg0: i32, %arg1: memref<2x400x64xf32, #tpu.memory_space<vmem>>, %arg2: memref<2x400x64xf32, #tpu.memory_space<vmem>>, %arg3: memref<400x32xf32, #tpu.memory_space<vmem>>, %arg4: memref<1x128xf32, #tpu.memory_space<vmem>>, %arg5: memref<1x128xf32, #tpu.memory_space<vmem>>, %arg6: memref<1x128xf32, #tpu.memory_space<vmem>>, %arg7: memref<1x1xf32, #tpu.memory_space<vmem>>, %arg8: memref<128x128xf32, #tpu.memory_space<vmem>>, %arg9: memref<2x400x64xf32, #tpu.memory_space<vmem>>) attributes {dimension_semantics = [#tpu.dimension_semantics<arbitrary>], iteration_bounds = array<i64: 25>, scalar_prefetch = 0 : i64, scratch_operands = 0 : i64, tpu.core_type = #tpu.core_type<tc>, window_params = [{transform_indices = @transform_0, window_bounds = array<i64: 2, 400, 64>}, {transform_indices = @transform_1, window_bounds = array<i64: 2, 400, 64>}, {transform_indices = @transform_2, window_bounds = array<i64: 400, 32>}, {pipeline_mode = #tpu.pipeline_mode<synchronous>, transform_indices = @transform_3, window_bounds = array<i64: 1, 128>}, {pipeline_mode = #tpu.pipeline_mode<synchronous>, transform_indices = @transform_4, window_bounds = array<i64: 1, 128>}, {pipeline_mode = #tpu.pipeline_mode<synchronous>, transform_indices = @transform_5, window_bounds = array<i64: 1, 128>}, {pipeline_mode = #tpu.pipeline_mode<synchronous>, transform_indices = @transform_6, window_bounds = array<i64: 1, 1>}, {pipeline_mode = #tpu.pipeline_mode<synchronous>, transform_indices = @transform_7, window_bounds = array<i64: 128, 128>}, {transform_indices = @transform_8, window_bounds = array<i64: 2, 400, 64>}]} {
    %get3A = arith.constant 0 : index
    %get3A_0 = arith.constant 0 : index
    %get3A_1 = vector.load %arg3[%get3A, %get3A_0] : memref<400x32xf32, #tpu.memory_space<vmem>>, vector<400x32xf32>
    %reduce_sum3A = arith.constant dense<0.000000e+00> : vector<400xf32>
    %reduce_sum3A_2 = vector.multi_reduction <add>, %get3A_1, %reduce_sum3A [1] : vector<400x32xf32> to vector<400xf32>
    %add3A = arith.constant 1.000000e+00 : f32
    %add3A_3 = vector.broadcast %add3A : f32 to vector<400xf32>
    %add3A_4 = arith.addf %reduce_sum3A_2, %add3A_3 : vector<400xf32>
    %rsqrt3A = math.rsqrt %add3A_4 : vector<400xf32>
    %broadcast_in_dim3A = vector.shape_cast %rsqrt3A : vector<400xf32> to vector<400x1xf32>
    %get3A_5 = arith.constant 0 : index
    %get3A_6 = arith.constant 0 : index
    %get3A_7 = arith.constant 0 : index
    %get3A_8 = vector.load %arg1[%get3A_5, %get3A_6, %get3A_7] : memref<2x400x64xf32, #tpu.memory_space<vmem>>, vector<1x400x64xf32>
    %get3A_9 = vector.shape_cast %get3A_8 : vector<1x400x64xf32> to vector<400x64xf32>
    %get3A_10 = arith.constant 0 : index
    %get3A_11 = arith.constant 0 : index
    %get3A_12 = arith.constant 0 : index
    %get3A_13 = vector.load %arg2[%get3A_10, %get3A_11, %get3A_12] : memref<2x400x64xf32, #tpu.memory_space<vmem>>, vector<1x400x64xf32>
    %get3A_14 = vector.shape_cast %get3A_13 : vector<1x400x64xf32> to vector<400x64xf32>
    %add3A_15 = arith.addf %get3A_9, %get3A_14 : vector<400x64xf32>
    %get3A_16 = arith.constant 1 : index
    %get3A_17 = arith.constant 0 : index
    %get3A_18 = arith.constant 0 : index
    %get3A_19 = vector.load %arg1[%get3A_16, %get3A_17, %get3A_18] : memref<2x400x64xf32, #tpu.memory_space<vmem>>, vector<1x400x64xf32>
    %get3A_20 = vector.shape_cast %get3A_19 : vector<1x400x64xf32> to vector<400x64xf32>
    %get3A_21 = arith.constant 1 : index
    %get3A_22 = arith.constant 0 : index
    %get3A_23 = arith.constant 0 : index
    %get3A_24 = vector.load %arg2[%get3A_21, %get3A_22, %get3A_23] : memref<2x400x64xf32, #tpu.memory_space<vmem>>, vector<1x400x64xf32>
    %get3A_25 = vector.shape_cast %get3A_24 : vector<1x400x64xf32> to vector<400x64xf32>
    %add3A_26 = arith.addf %get3A_20, %get3A_25 : vector<400x64xf32>
    %concatenate3A = tpu.concatenate %add3A_15, %add3A_26 in 1 : vector<400x64xf32>, vector<400x64xf32> -> vector<400x128xf32>
    %mul3A = vector.broadcast %broadcast_in_dim3A : vector<400x1xf32> to vector<400x128xf32>
    %mul3A_27 = arith.mulf %mul3A, %concatenate3A : vector<400x128xf32>
    %get3A_28 = arith.constant 0 : index
    %get3A_29 = arith.constant 0 : index
    %get3A_30 = vector.load %arg4[%get3A_28, %get3A_29] : memref<1x128xf32, #tpu.memory_space<vmem>>, vector<1x128xf32>
    %add3A_31 = vector.broadcast %get3A_30 : vector<1x128xf32> to vector<400x128xf32>
    %add3A_32 = arith.addf %mul3A_27, %add3A_31 : vector<400x128xf32>
    %reduce_sum3A_33 = arith.constant dense<0.000000e+00> : vector<400xf32>
    %reduce_sum3A_34 = vector.multi_reduction <add>, %add3A_32, %reduce_sum3A_33 [1] : vector<400x128xf32> to vector<400xf32>
    %broadcast_in_dim3A_35 = vector.shape_cast %reduce_sum3A_34 : vector<400xf32> to vector<400x1xf32>
    %div3A = arith.constant 1.280000e+02 : f32
    %div3A_36 = vector.broadcast %div3A : f32 to vector<400x1xf32>
    %div3A_37 = arith.divf %broadcast_in_dim3A_35, %div3A_36 : vector<400x1xf32>
    %sub3A = vector.broadcast %div3A_37 : vector<400x1xf32> to vector<400x128xf32>
    %sub3A_38 = arith.subf %add3A_32, %sub3A : vector<400x128xf32>
    %mul3A_39 = arith.mulf %sub3A_38, %sub3A_38 : vector<400x128xf32>
    %reduce_sum3A_40 = arith.constant dense<0.000000e+00> : vector<400xf32>
    %reduce_sum3A_41 = vector.multi_reduction <add>, %mul3A_39, %reduce_sum3A_40 [1] : vector<400x128xf32> to vector<400xf32>
    %broadcast_in_dim3A_42 = vector.shape_cast %reduce_sum3A_41 : vector<400xf32> to vector<400x1xf32>
    %div3A_43 = arith.constant 1.280000e+02 : f32
    %div3A_44 = vector.broadcast %div3A_43 : f32 to vector<400x1xf32>
    %div3A_45 = arith.divf %broadcast_in_dim3A_42, %div3A_44 : vector<400x1xf32>
    %add3A_46 = arith.constant 9.99999974E-6 : f32
    %add3A_47 = vector.broadcast %add3A_46 : f32 to vector<400x1xf32>
    %add3A_48 = arith.addf %div3A_45, %add3A_47 : vector<400x1xf32>
    %rsqrt3A_49 = math.rsqrt %add3A_48 : vector<400x1xf32>
    %mul3A_50 = vector.broadcast %rsqrt3A_49 : vector<400x1xf32> to vector<400x128xf32>
    %mul3A_51 = arith.mulf %sub3A_38, %mul3A_50 : vector<400x128xf32>
    %get3A_52 = arith.constant 0 : index
    %get3A_53 = arith.constant 0 : index
    %get3A_54 = vector.load %arg5[%get3A_52, %get3A_53] : memref<1x128xf32, #tpu.memory_space<vmem>>, vector<1x128xf32>
    %mul3A_55 = vector.broadcast %get3A_54 : vector<1x128xf32> to vector<400x128xf32>
    %mul3A_56 = arith.mulf %mul3A_51, %mul3A_55 : vector<400x128xf32>
    %get3A_57 = arith.constant 0 : index
    %get3A_58 = arith.constant 0 : index
    %get3A_59 = vector.load %arg6[%get3A_57, %get3A_58] : memref<1x128xf32, #tpu.memory_space<vmem>>, vector<1x128xf32>
    %add3A_60 = vector.broadcast %get3A_59 : vector<1x128xf32> to vector<400x128xf32>
    %add3A_61 = arith.addf %mul3A_56, %add3A_60 : vector<400x128xf32>
    %ge3A = arith.constant 0.000000e+00 : f32
    %ge3A_62 = vector.broadcast %ge3A : f32 to vector<400x128xf32>
    %ge3A_63 = arith.cmpf oge, %add3A_61, %ge3A_62 : vector<400x128xf32>
    %get3A_64 = arith.constant 0 : index
    %get3A_65 = arith.constant 0 : index
    %get3A_66 = vector.load %arg7[%get3A_64, %get3A_65] : memref<1x1xf32, #tpu.memory_space<vmem>>, vector<1x1xf32>
    %get3A_67 = vector.extract %get3A_66[0, 0] : f32 from vector<1x1xf32>
    %mul3A_68 = vector.broadcast %get3A_67 : f32 to vector<400x128xf32>
    %mul3A_69 = arith.mulf %mul3A_68, %add3A_61 : vector<400x128xf32>
    %select_n3A = arith.select %ge3A_63, %add3A_61, %mul3A_69 : vector<400x128xi1>, vector<400x128xf32>
    %get3A_70 = arith.constant 0 : index
    %get3A_71 = arith.constant 0 : index
    %get3A_72 = vector.load %arg8[%get3A_70, %get3A_71] : memref<128x128xf32, #tpu.memory_space<vmem>>, vector<128x128xf32>
    %dot_general3A = arith.constant dense<0.000000e+00> : vector<400x128xf32>
    %dot_general3A_73 = tpu.matmul %select_n3A, %get3A_72, %dot_general3A {dimension_numbers = #tpu.dot_dimension_numbers<[1], [0], [0], [1], [0, 0, 1, 1], [], []>, transpose_lhs_hint = false} : vector<400x128xf32>, vector<128x128xf32>, vector<400x128xf32> -> vector<400x128xf32>
    %broadcast_in_dim3A_74 = vector.shape_cast %rsqrt3A : vector<400xf32> to vector<400x1xf32>
    %mul3A_75 = vector.broadcast %broadcast_in_dim3A_74 : vector<400x1xf32> to vector<400x128xf32>
    %mul3A_76 = arith.mulf %dot_general3A_73, %mul3A_75 : vector<400x128xf32>
    %slice3A = vector.extract_strided_slice %mul3A_76 {offsets = [0, 0], sizes = [400, 64], strides = [1, 1]} : vector<400x128xf32> to vector<400x64xf32>
    %swap3A = arith.constant 0 : index
    %swap3A_77 = arith.constant 0 : index
    %swap3A_78 = arith.constant 0 : index
    %swap3A_79 = vector.load %arg9[%swap3A, %swap3A_77, %swap3A_78] : memref<2x400x64xf32, #tpu.memory_space<vmem>>, vector<1x400x64xf32>
    %swap3A_80 = vector.shape_cast %swap3A_79 : vector<1x400x64xf32> to vector<400x64xf32>
    %swap3A_81 = vector.shape_cast %slice3A : vector<400x64xf32> to vector<1x400x64xf32>
    tpu.vector_store %arg9[%swap3A, %swap3A_77, %swap3A_78], %swap3A_81 {strides = array<i32>} : memref<2x400x64xf32, #tpu.memory_space<vmem>>, vector<1x400x64xf32>,
    %slice3A_82 = vector.extract_strided_slice %mul3A_76 {offsets = [0, 64], sizes = [400, 64], strides = [1, 1]} : vector<400x128xf32> to vector<400x64xf32>
    %swap3A_83 = arith.constant 1 : index
    %swap3A_84 = arith.constant 0 : index
    %swap3A_85 = arith.constant 0 : index
    %swap3A_86 = vector.load %arg9[%swap3A_83, %swap3A_84, %swap3A_85] : memref<2x400x64xf32, #tpu.memory_space<vmem>>, vector<1x400x64xf32>
    %swap3A_87 = vector.shape_cast %swap3A_86 : vector<1x400x64xf32> to vector<400x64xf32>
    %swap3A_88 = vector.shape_cast %slice3A_82 : vector<400x64xf32> to vector<1x400x64xf32>
    tpu.vector_store %arg9[%swap3A_83, %swap3A_84, %swap3A_85], %swap3A_88 {strides = array<i32>} : memref<2x400x64xf32, #tpu.memory_space<vmem>>, vector<1x400x64xf32>,
    return
  }
  func.func @transform_0(%arg0: i32) -> (i32, i32, i32) {
    %c0_i32 = arith.constant 0 : i32
    %c0_i32_0 = arith.constant 0 : i32
    %c0_i32_1 = arith.constant 0 : i32
    return %c0_i32, %arg0, %c0_i32_0 : i32, i32, i32
  }
  func.func @transform_1(%arg0: i32) -> (i32, i32, i32) {
    %c0_i32 = arith.constant 0 : i32
    %c0_i32_0 = arith.constant 0 : i32
    %c0_i32_1 = arith.constant 0 : i32
    return %c0_i32, %arg0, %c0_i32_0 : i32, i32, i32
  }
  func.func @transform_2(%arg0: i32) -> (i32, i32) {
    %c0_i32 = arith.constant 0 : i32
    %c0_i32_0 = arith.constant 0 : i32
    return %arg0, %c0_i32 : i32, i32
  }
  func.func @transform_3(%arg0: i32) -> (i32, i32) {
    %c0_i32 = arith.constant 0 : i32
    %c0_i32_0 = arith.constant 0 : i32
    %c0_i32_1 = arith.constant 0 : i32
    return %c0_i32, %c0_i32_0 : i32, i32
  }
  func.func @transform_4(%arg0: i32) -> (i32, i32) {
    %c0_i32 = arith.constant 0 : i32
    %c0_i32_0 = arith.constant 0 : i32
    %c0_i32_1 = arith.constant 0 : i32
    return %c0_i32, %c0_i32_0 : i32, i32
  }
  func.func @transform_5(%arg0: i32) -> (i32, i32) {
    %c0_i32 = arith.constant 0 : i32
    %c0_i32_0 = arith.constant 0 : i32
    %c0_i32_1 = arith.constant 0 : i32
    return %c0_i32, %c0_i32_0 : i32, i32
  }
  func.func @transform_6(%arg0: i32) -> (i32, i32) {
    %c0_i32 = arith.constant 0 : i32
    %c0_i32_0 = arith.constant 0 : i32
    %c0_i32_1 = arith.constant 0 : i32
    return %c0_i32, %c0_i32_0 : i32, i32
  }
  func.func @transform_7(%arg0: i32) -> (i32, i32) {
    %c0_i32 = arith.constant 0 : i32
    %c0_i32_0 = arith.constant 0 : i32
    %c0_i32_1 = arith.constant 0 : i32
    return %c0_i32, %c0_i32_0 : i32, i32
  }
  func.func @transform_8(%arg0: i32) -> (i32, i32, i32) {
    %c0_i32 = arith.constant 0 : i32
    %c0_i32_0 = arith.constant 0 : i32
    %c0_i32_1 = arith.constant 0 : i32
    return %c0_i32, %arg0, %c0_i32_0 : i32, i32, i32
  }
}

module attributes {stable_mosaic.version = 14 : i64} {
  func.func @_tc3_body(%arg0: i32, %arg1: memref<2x400x64xf32, #tpu.memory_space<vmem>>, %arg2: memref<2x400x64xf32, #tpu.memory_space<vmem>>, %arg3: memref<400x32xf32, #tpu.memory_space<vmem>>, %arg4: memref<1x128xf32, #tpu.memory_space<vmem>>, %arg5: memref<400x128xf32, #tpu.memory_space<vmem>>) attributes {dimension_semantics = [#tpu.dimension_semantics<arbitrary>], iteration_bounds = array<i64: 25>, scalar_prefetch = 0 : i64, scratch_operands = 0 : i64, tpu.core_type = #tpu.core_type<tc>, window_params = [{transform_indices = @transform_0, window_bounds = array<i64: 2, 400, 64>}, {transform_indices = @transform_1, window_bounds = array<i64: 2, 400, 64>}, {transform_indices = @transform_2, window_bounds = array<i64: 400, 32>}, {pipeline_mode = #tpu.pipeline_mode<synchronous>, transform_indices = @transform_3, window_bounds = array<i64: 1, 128>}, {transform_indices = @transform_4, window_bounds = array<i64: 400, 128>}]} {
    %get3A = arith.constant 0 : index
    %get3A_0 = arith.constant 0 : index
    %get3A_1 = vector.load %arg3[%get3A, %get3A_0] : memref<400x32xf32, #tpu.memory_space<vmem>>, vector<400x32xf32>
    %reduce_sum3A = arith.constant dense<0.000000e+00> : vector<400xf32>
    %reduce_sum3A_2 = vector.multi_reduction <add>, %get3A_1, %reduce_sum3A [1] : vector<400x32xf32> to vector<400xf32>
    %add3A = arith.constant 1.000000e+00 : f32
    %add3A_3 = vector.broadcast %add3A : f32 to vector<400xf32>
    %add3A_4 = arith.addf %reduce_sum3A_2, %add3A_3 : vector<400xf32>
    %rsqrt3A = math.rsqrt %add3A_4 : vector<400xf32>
    %broadcast_in_dim3A = vector.shape_cast %rsqrt3A : vector<400xf32> to vector<400x1xf32>
    %get3A_5 = arith.constant 0 : index
    %get3A_6 = arith.constant 0 : index
    %get3A_7 = arith.constant 0 : index
    %get3A_8 = vector.load %arg1[%get3A_5, %get3A_6, %get3A_7] : memref<2x400x64xf32, #tpu.memory_space<vmem>>, vector<1x400x64xf32>
    %get3A_9 = vector.shape_cast %get3A_8 : vector<1x400x64xf32> to vector<400x64xf32>
    %get3A_10 = arith.constant 0 : index
    %get3A_11 = arith.constant 0 : index
    %get3A_12 = arith.constant 0 : index
    %get3A_13 = vector.load %arg2[%get3A_10, %get3A_11, %get3A_12] : memref<2x400x64xf32, #tpu.memory_space<vmem>>, vector<1x400x64xf32>
    %get3A_14 = vector.shape_cast %get3A_13 : vector<1x400x64xf32> to vector<400x64xf32>
    %add3A_15 = arith.addf %get3A_9, %get3A_14 : vector<400x64xf32>
    %get3A_16 = arith.constant 1 : index
    %get3A_17 = arith.constant 0 : index
    %get3A_18 = arith.constant 0 : index
    %get3A_19 = vector.load %arg1[%get3A_16, %get3A_17, %get3A_18] : memref<2x400x64xf32, #tpu.memory_space<vmem>>, vector<1x400x64xf32>
    %get3A_20 = vector.shape_cast %get3A_19 : vector<1x400x64xf32> to vector<400x64xf32>
    %get3A_21 = arith.constant 1 : index
    %get3A_22 = arith.constant 0 : index
    %get3A_23 = arith.constant 0 : index
    %get3A_24 = vector.load %arg2[%get3A_21, %get3A_22, %get3A_23] : memref<2x400x64xf32, #tpu.memory_space<vmem>>, vector<1x400x64xf32>
    %get3A_25 = vector.shape_cast %get3A_24 : vector<1x400x64xf32> to vector<400x64xf32>
    %add3A_26 = arith.addf %get3A_20, %get3A_25 : vector<400x64xf32>
    %concatenate3A = tpu.concatenate %add3A_15, %add3A_26 in 1 : vector<400x64xf32>, vector<400x64xf32> -> vector<400x128xf32>
    %mul3A = vector.broadcast %broadcast_in_dim3A : vector<400x1xf32> to vector<400x128xf32>
    %mul3A_27 = arith.mulf %mul3A, %concatenate3A : vector<400x128xf32>
    %get3A_28 = arith.constant 0 : index
    %get3A_29 = arith.constant 0 : index
    %get3A_30 = vector.load %arg4[%get3A_28, %get3A_29] : memref<1x128xf32, #tpu.memory_space<vmem>>, vector<1x128xf32>
    %add3A_31 = vector.broadcast %get3A_30 : vector<1x128xf32> to vector<400x128xf32>
    %add3A_32 = arith.addf %mul3A_27, %add3A_31 : vector<400x128xf32>
    %swap3A = arith.constant 0 : index
    %swap3A_33 = arith.constant 0 : index
    %swap3A_34 = vector.load %arg5[%swap3A, %swap3A_33] : memref<400x128xf32, #tpu.memory_space<vmem>>, vector<400x128xf32>
    tpu.vector_store %arg5[%swap3A, %swap3A_33], %add3A_32 {strides = array<i32>} : memref<400x128xf32, #tpu.memory_space<vmem>>, vector<400x128xf32>,
    return
  }
  func.func @transform_0(%arg0: i32) -> (i32, i32, i32) {
    %c0_i32 = arith.constant 0 : i32
    %c0_i32_0 = arith.constant 0 : i32
    %c0_i32_1 = arith.constant 0 : i32
    return %c0_i32, %arg0, %c0_i32_0 : i32, i32, i32
  }
  func.func @transform_1(%arg0: i32) -> (i32, i32, i32) {
    %c0_i32 = arith.constant 0 : i32
    %c0_i32_0 = arith.constant 0 : i32
    %c0_i32_1 = arith.constant 0 : i32
    return %c0_i32, %arg0, %c0_i32_0 : i32, i32, i32
  }
  func.func @transform_2(%arg0: i32) -> (i32, i32) {
    %c0_i32 = arith.constant 0 : i32
    %c0_i32_0 = arith.constant 0 : i32
    return %arg0, %c0_i32 : i32, i32
  }
  func.func @transform_3(%arg0: i32) -> (i32, i32) {
    %c0_i32 = arith.constant 0 : i32
    %c0_i32_0 = arith.constant 0 : i32
    %c0_i32_1 = arith.constant 0 : i32
    return %c0_i32, %c0_i32_0 : i32, i32
  }
  func.func @transform_4(%arg0: i32) -> (i32, i32) {
    %c0_i32 = arith.constant 0 : i32
    %c0_i32_0 = arith.constant 0 : i32
    return %arg0, %c0_i32 : i32, i32
  }
}

</mosaic_0001>

<sc_bundles>
// kernel: kernel.11.cloned.1.call-start
scs
__scs_entry_jumppad:
0x0: {  	(pc) =	sbr.rel $0x88, $3  }
0x1: {  	(tag) =	ssettag $0x0;
	lr =	simm.s32 $0x1  }
0x2: {  	[smem:$0x3F98] =	sst lr;
	_ =	strace $0xD0000000  }
0x3: {  	_ = 	snop  }
0x4: {  	_ = 	snop  }
0x5: {  	_ = 	snop  }
0x6: {  	_ = 	snop  }
0x7: {  	_ = 	snop  }
__scs_overlays_trampoline_lowered:
0x8: {  	[smem:$0x3FA7] =	sst s0  }
0x9: {  	[smem:$0x3FA8] =	sst s1  }
0xa: {  	[smem:$0x3FA9] =	sst s2  }
0xb: {  	[smem:$0x3FAA] =	sst s3  }
0xc: {  	[smem:$0x3FAB] =	sst s4  }
0xd: {  	[smem:$0x3FAC] =	sst s5  }
0xe: {  	[smem:$0x3FAD] =	sst s6  }
0xf: {  	[smem:$0x3FAE] =	sst s7  }
0x10: {  	[smem:$0x3FAF] =	sst s8  }
0x11: {  	[smem:$0x3FB0] =	sst s9;
	s0 =	simm.s32 @!p0 $0x0  }
0x12: {  	s1 =	sld [smem:$0x3F96];
	s0 =	simm.s32 @p0 $0x1  }
0x13: {  	[smem:$0x3FB1] =	sst s0;
	s0 =	simm.s32 @!p1 $0x0  }
0x14: {  	s2 =	sld [smem:$0x3F95];
	s0 =	simm.s32 @p1 $0x1  }
0x15: {  	[smem:$0x3FB2] =	sst s0;
	s0 =	simm.s32 @!p2 $0x0  }
0x16: {  	s3 =	sld [smem:$0x3FDB];
	s0 =	simm.s32 @p2 $0x1  }
0x17: {  	s4 =	simm.s32 $0x1BF5;
	[smem:$0x3FB4] =	sst s0  }
0x18: {  	s0 =	sld [smem:$0x3F97];
	_ =	swait.ge [sflag:s4], $0x0  }
0x19: {  	s7 =	sld [smem:$0x3F98]  }
0x1a: {  	s8 =	sadd.s32 $0xFFFFE003, lr  }
0x1b: {  	s9 =	sadd.s32 $0xFFFFFEF7, lr;
	s5 =	simm.s32 $0xFFFFFFFF;
	p2 =	slt.u32 s8, $0xFFFFF086  }
0x1c: {  	p1 =	slt.u32 s9, $0xF7A;
	s5 =	simm.s32 @!p2 $0x0  }
0x1d: {  	s5 =	simm.s32 @p1 $0x1;
	p0 =	seq.s32 s7, s2  }
0x1e: {  	s7 =	smul.u32 @!p0 $0xF7A, s2;
	p2 =	seq.s32 @!p0 s5, $0x0  }
0x1f: {  	s9 =	smul.u32 $0xF7A, s1;
	s8 =	simm.s32 @!p0 $0x1BF5;
	p2 =	por !p2, p0  }
0x20: {  	[sflag:s8] =	ssyncset.s32 @!p0 $0xFFFFF086;
	s6 =	sadd.s32 @!p0 s3, s7;
	s7 =	simm.s32 @!p0 $0x108  }
0x21: {  	s3 =	sadd.s32 s3, s9;
	s6 =	sadd.s32 @!p0 $0x88, s6;
	s7 =	simm.s32 @p2 $0x1082  }
0x22: {  	[simem:s7], [sflag:s8] =	dma.local @!p0 [hbm:s6], $0xF7A  }
0x23: {  	s9 =	sor.u32 $0xD0000000, s2;
	s6 =	simm.s32 $0x108;
	_ =	swait.ge @!p0 [sflag:s8], $0x0  }
0x24: {  	s3 =	sadd.s32 $0x88, s3;
	s6 =	simm.s32 @!p1 $0x1082;
	[sflag:s4] =	ssyncset.s32 $0xFFFFF086  }
0x25: {  	[simem:s6], [sflag:s4] =	dma.local [hbm:s3], $0xF7A  }
0x26: {  	[smem:$0x3F98] =	sst s1;
	(tag) =	ssettag s2;
	_ =	strace s9  }
0x27: {  	s1 =	sld [smem:$0x3FA8]  }
0x28: {  	s2 =	sld [smem:$0x3FA9]  }
0x29: {  	s4 =	sld [smem:$0x3FAB]  }
0x2a: {  	p0 =	seq.s32 s5, $0x0;
	s5 =	sld [smem:$0x3FAC]  }
0x2b: {  	s6 =	sld [smem:$0x3FAD]  }
0x2c: {  	s7 =	sld [smem:$0x3FAE]  }
0x2d: {  	s3 =	simm.s32 $0x108;
	s8 =	sld [smem:$0x3FAF]  }
0x2e: {  	s3 =	simm.s32 @!p0 $0x1082;
	s9 =	sld [smem:$0x3FB0]  }
0x2f: {  	lr =	sadd.s32 s0, s3;
	s0 =	sld [smem:$0x3FA7]  }
0x30: {  	s3 =	sld [smem:$0x3FAA]  }
0x31: {  	[smem:$0x3FB3] =	sst s10  }
0x32: {  	s10 =	sld [smem:$0x3FB1];
	_ =	sdelay $0x3  }
0x33: {  	p0 =	seq.s32 s10, $0x1;
	s10 =	sld [smem:$0x3FB3];
	_ =	sdelay $0x3  }
0x34: {  	[smem:$0x3FB3] =	sst s10  }
0x35: {  	s10 =	sld [smem:$0x3FB2];
	_ =	sdelay $0x3  }
0x36: {  	p1 =	seq.s32 s10, $0x1;
	s10 =	sld [smem:$0x3FB3];
	_ =	sdelay $0x3  }
0x37: {  	[smem:$0x3FB3] =	sst s10  }
0x38: {  	s10 =	sld [smem:$0x3FB4]  }
0x39: {  	_ = 	snop;
	(pc) =	sbr.ind lr, $3  }
0x3a: {  	_ = 	snop  }
0x3b: {  	_ = 	snop  }
0x3c: {  	p2 =	seq.s32 s10, $0x1;
	s10 =	sld [smem:$0x3FB3]  }
0x3d: {  	_ =	shalt  }
0x3e: {  	_ =	shalt  }
0x3f: {  	_ =	shalt  }
0x40: {  	_ =	shalt  }
0x41: {  	_ =	shalt  }
0x42: {  	_ =	shalt  }
0x43: {  	_ =	shalt  }
0x44: {  	_ =	shalt  }
0x45: {  	_ =	shalt  }
0x46: {  	_ =	shalt  }
0x47: {  	_ =	shalt  }
0x48: {  	_ =	shalt  }
0x49: {  	_ =	shalt  }
0x4a: {  	_ =	shalt  }
0x4b: {  	_ =	shalt  }
0x4c: {  	_ =	shalt  }
0x4d: {  	_ =	shalt  }
0x4e: {  	_ =	shalt  }
0x4f: {  	_ =	shalt  }
0x50: {  	_ =	shalt  }
0x51: {  	_ =	shalt  }
0x52: {  	_ =	shalt  }
0x53: {  	_ =	shalt  }
0x54: {  	_ =	shalt  }
0x55: {  	_ =	shalt  }
0x56: {  	_ =	shalt  }
0x57: {  	_ =	shalt  }
0x58: {  	_ =	shalt  }
0x59: {  	_ =	shalt  }
0x5a: {  	_ =	shalt  }
0x5b: {  	_ =	shalt  }
0x5c: {  	_ =	shalt  }
0x5d: {  	_ =	shalt  }
0x5e: {  	_ =	shalt  }
0x5f: {  	_ =	shalt  }
0x60: {  	_ =	shalt  }
0x61: {  	_ =	shalt  }
0x62: {  	_ =	shalt  }
0x63: {  	_ =	shalt  }
0x64: {  	_ =	shalt  }
0x65: {  	_ =	shalt  }
0x66: {  	_ =	shalt  }
0x67: {  	_ =	shalt  }
0x68: {  	_ =	shalt  }
0x69: {  	_ =	shalt  }
0x6a: {  	_ =	shalt  }
0x6b: {  	_ =	shalt  }
0x6c: {  	_ =	shalt  }
0x6d: {  	_ =	shalt  }
0x6e: {  	_ =	shalt  }
0x6f: {  	_ =	shalt  }
0x70: {  	_ =	shalt  }
0x71: {  	_ =	shalt  }
0x72: {  	_ =	shalt  }
0x73: {  	_ =	shalt  }
0x74: {  	_ =	shalt  }
0x75: {  	_ =	shalt  }
0x76: {  	_ =	shalt  }
0x77: {  	_ =	shalt  }
0x78: {  	_ =	shalt  }
0x79: {  	_ =	shalt  }
0x7a: {  	_ =	shalt  }
0x7b: {  	_ =	shalt  }
0x7c: {  	_ =	shalt  }
0x7d: {  	_ =	shalt  }
0x7e: {  	_ =	shalt  }
0x7f: {  	_ =	shalt  }
0x80: {  	_ =	shalt  }
0x81: {  	_ =	shalt  }
0x82: {  	_ =	shalt  }
0x83: {  	_ =	shalt  }
0x84: {  	_ =	shalt  }
0x85: {  	_ =	shalt  }
0x86: {  	_ =	shalt  }
0x87: {  	_ =	shalt  }
.Lfunc_end0:
.L_simem_size_0:
called_computation.1_lowered:
.L_overlay_start_0:
0x88: {  	s2 =	sld [smem:$0x3FD9]  }
0x89: {  	s3 =	sld [smem:$0x3FFE];
	_ =	sdelay $0x1  }
0x8a: {  	s1 =	srdreg.scid  }
0x8b: {  	s0 =	sand.u32 $0x1, s1  }
0x8c: {  	s17 =	sshll.u32 s0, $0xA;
	s2 =	sadd.s32 s3, s2  }
0x8d: {  	s2 =	sadd.s32 s2, s17  }
0x8e: {  	[smem:$0x3FBF] =	sst s2  }
0x8f: {  	_ = 	snop  }
0x90: {  	s2 =	sld [smem:$0x3FD0];
	(tm) =	ssettm $0x1  }
0x91: {  	s18 =	sld [smem:$0x3FFB];
	_ =	sdelay $0x3  }
0x92: {  	_ =	strace s18  }
0x93: {  	s3 =	sld [smem:$0x3FFC];
	_ =	sdelay $0x3  }
0x94: {  	_ =	strace s3  }
0x95: {  	s3 =	sld [smem:$0x3FFD];
	_ =	sdelay $0x3  }
0x96: {  	_ =	strace s3  }
0x97: {  	_ =	strace $0x8FFFFFFF  }
0x98: {  	s19 =	sld [smem:$0x3FDB];
	_ =	sdelay $0x1  }
0x99: {  	s4 =	simm.s32 $_scs_section_size  }
0x9a: {  	s5 =	simm.s32 $_size__tile_overlayer_lowered;
	s6 =	simm.s32 $_tile_overlayer_lowered  }
0x9b: {  	s22 =	simm.s32 $0x1BFF;
	s21 =	sshll.u32 s6, $0x1;
	s3 =	sadd.s32 s4, s19  }
0x9c: {  	s7 =	simm.s32 $0x0;
	s20 =	sshll.u32 s5, $0x1;
	s5 =	sadd.s32 s21, s3  }
0x9d: {  	[timem:s7], [sflag:s22] =	dma.local [hbm:s5], s20  }
0x9e: {  	_ =	swait.ge [sflag:s22], s20  }
0x9f: {  	s4 =	ssub.s32 $0x0, s20;
	[sflag:s22] =	ssyncset.done $0x0  }
0xa0: {  	[sflag:s22] =	ssyncadd.s32 s4;
	_ =	sdelay $0x1  }
0xa1: {  	s23 =	simm.s32 $0x1B8B  }
0xa2: {  	_ =	swait.ge [sflag:s23], $0x1  }
0xa3: {  	[sflag:s23] =	ssyncset.done $0x0  }
0xa4: {  	s25 =	simm.s32 $0x1B8E;
	s24 =	sld [smem:$0x3FFE];
	[sflag:s23] =	ssyncadd.s32 $0xFFFFFFFF  }
0xa5: {  	s26 =	simm.s32 $execute0_lowered;
	[smem:$0x3FD2] =	sst s25  }
0xa6: {  	s5 =	sshll.u32 s26, $0x1;
	_ =	strace $0x80000049;
	[dreg:$0x1] =	wrdreg $0xFFFFFFFF  }
0xa7: {  	s28 =	simm.s32 $_size_execute0_lowered;
	s3 =	sadd.s32 s3, s5;
	[dreg:$0x0] =	wrdreg $0x0  }
0xa8: {  	s5 =	sshll.u32 s28, $0x1;
	[dreg:$0x2] =	wrdreg s3  }
0xa9: {  	[dreg:$0x3] =	wrdreg s5  }
0xaa: {  	[dreg:$0x4] =	wrdreg $0xC0  }
0xab: {  	_ =	task [dreg:s7], $0x5FFFF  }
0xac: {  	[dreg:$0x1] =	wrdreg $0xFFFFFFFF  }
0xad: {  	[dreg:$0x0] =	wrdreg $0x60  }
0xae: {  	[dreg:$0x2] =	wrdreg s24  }
0xaf: {  	[dreg:$0x3] =	wrdreg s2  }
0xb0: {  	[dreg:$0x4] =	wrdreg $0x120000  }
0xb1: {  	[dreg:$0x5] =	wrdreg $0x9  }
0xb2: {  	_ =	task.clear_ibuf [dreg:s7], $0x6FFFF;
	_ =	strace $0x90000049  }
0xb3: {  	s29 =	simm.s32 $0x9;
	_ =	strace $0x8000004B  }
0xb4: {  	_ =	swait.ge [sflag:s29], $0x1  }
0xb5: {  	[sflag:s29] =	ssyncadd.s32 $0xFFFFFFFF  }
0xb6: {  	_ =	strace $0x9000004B  }
0xb7: {  	_ =	sfence  }
0xb8: {  	s30 =	sld [smem:$0x0];
	_ =	sdelay $0x2  }
0xb9: {  	s31 =	sshll.u32 s1, $0xD;
	s1 =	sshrl.u32 s1, $0x2  }
0xba: {  	s3 =	sand.u32 $0x4000, s31;
	s1 =	sadd.s32 s1, s30  }
0xbb: {  	s0 =	sor.u32 s3, s0;
	s1 =	sshll.u32 s1, $0x11  }
0xbc: {  	s0 =	sor.u32 s1, s0  }
0xbd: {  	s0 =	sadd.s32 $0x8F2B, s0  }
0xbe: {  	[sflag:s0] =	ssyncadd.remote.s32 $0x1  }
0xbf: {  	_ =	sfence.sel $0xFFFF  }
0xc0: {  	[dreg:$0x0] =	wrdreg $0xFFFFFFFF;
	(pc) =	sbr.abs _section_cstart, $3  }
0xc1: {  	[dreg:$0x1] =	wrdreg $0xFFFFFFFF  }
0xc2: {  	_ =	task.clear_ibuf [dreg:s7], $0x2FFFF;
	_ =	strace $0x9FFFFFFF  }
0xc3: {  	(tm) =	ssettm $0x7FFFFFFF  }
tec
execute0_lowered:
.L_overlay_start_1:
0x0: {  	(tag) =	ssettag $0x1  }
0x1: {  	s4 =	rddreg [dreg:$0x0]  }
0x2: {  	s7 =	rddreg [dreg:$0x1]  }
0x3: {  	s1 =	rddreg [dreg:$0x2];
	s2 =	srdreg.scid  }
0x4: {  	s0 =	rddreg [dreg:$0x3];
	s3 =	simm.s32 $0x0;
	s13 =	simm.s32 $0xA000  }
0x5: {  	s14 =	simm.s32 $0xC000;
	s15 =	simm.s32 $0x100;
	s16 =	simm.s32 $0xE000  }
0x6: {  	s17 =	simm.s32 $0x180;
	s18 =	simm.s32 $0x10000;
	s21 =	simm.s32 $0x1  }
0x7: {  	s22 =	simm.s32 $0x2;
	s23 =	simm.s32 $0x9E00;
	s24 =	simm.s32 $0x9E80  }
0x8: {  	s25 =	simm.s32 $0x9F00;
	s5 =	sand.u32 $0x1, s2;
	s2 =	stileid.u32  }
0x9: {  	s26 =	simm.s32 $0x9F80;
	[smem:$0x7FF] =	sst s3;
	s6 =	smul.u32 $0x9E000, s5  }
0xa: {  	s28 =	simm.s32 $0x0;
	s8 =	smul.u32 $0x9E00, s2;
	_ =	strace $0x8000004A  }
0xb: {  	s10 =	smul.u32 $0xA00, s2;
	s5 =	ssub.s32 $0x2, s5;
	s19 =	sshll.u32 s2, $0x6  }
0xc: {  	s11 =	sshrl.u32 s5, $0x1;
	s19 =	sor.u32 $0x1C03, s19;
	s9 =	sshrl.u32 s6, $0x3  }
0xd: {  	s6 =	sadd.s32 s8, s6;
	s10 =	sadd.s32 s10, s4;
	s11 =	ssub.s32 s5, s11  }
0xe: {  	s31 =	sshrl.u32 s8, $0x3;
	s20 =	sadd.s32 s8, s1;
	s9 =	sadd.s32 s9, s4  }
0xf: {  	s6 =	sshrl.u32 s6, $0x3;
	s5 =	sadd.s32 $0x1C00, s10;
	s7 =	sadd.s32 s7, s31  }
0x10: {  	s20 =	sshrl.u32 s20, $0x3;
	s12 =	sadd.s32 s6, s4;
	s4 =	sadd.s32 $0xBC00, s10  }
0x11: {  	s6 =	sadd.s32 $0x64C00, s9;
	s9 =	smax.u32 s11, $0x1;
	s10 =	simm.s32 $0x3  }
0x12: {  	s11 =	simm.s32 $0x5000;
	s8 =	sadd.s32 $0x8C400, s12;
	s12 =	simm.s32 $0x80  }
.LBB2_1:
0x13: {  	[tilespmem:s3], [sflag:$0x3] =	stream.linear.gather [hbm4b:s4+s3], $0x5000, $0x38;
	[tilespmem:$0x1BE00] =	vst v63  }
0x14: {  	_ =	swait.ge [sflag:s10], $0x5000  }
0x15: {  	[sflag:s10] =	ssyncset.done $0x0  }
0x16: {  	[sflag:s10] =	ssyncadd.s32 $0xFFFFB000  }
0x17: {  	[tilespmem:s11], [sflag:$0x3] =	stream.linear.gather [hbm4b:s5+s3], $0x5000, $0x38;
	[tilespmem:$0x1BE00] =	vst v63  }
0x18: {  	_ =	swait.ge [sflag:s10], $0x5000  }
0x19: {  	[sflag:s10] =	ssyncset.done $0x0  }
0x1a: {  	[sflag:s10] =	ssyncadd.s32 $0xFFFFB000  }
0x1b: {  	[tilespmem:s13], [sflag:$0x1] =	stream.indirect.gather [hbm4b:s6+s12], $0x40, s3, s12, $0xb8;
	[tilespmem:$0x1BE00] =	vst v63  }
0x1c: {  	_ = 	snop  }
0x1d: {  	[tilespmem:s14], [sflag:$0x1] =	stream.indirect.gather [hbm4b:s6+s12], $0x40, s12, s12, $0xb8;
	[tilespmem:$0x1BE00] =	vst v63  }
0x1e: {  	_ = 	snop  }
0x1f: {  	[tilespmem:s16], [sflag:$0x2] =	stream.indirect.gather [hbm4b:s6+s12], $0x40, s15, s12, $0xb8;
	[tilespmem:$0x1BE00] =	vst v63  }
0x20: {  	_ = 	snop  }
0x21: {  	[tilespmem:s18], [sflag:$0x2] =	stream.indirect.gather [hbm4b:s6+s12], $0x40, s17, s12, $0xb8;
	[tilespmem:$0x1BE00] =	vst v63  }
0x22: {  	[spmem:s20], [sflag:s19] =	dma.local [hbm:s7], $0x13C0  }
0x23: {  	_ =	swait.ge [sflag:s10], $0x13C0  }
0x24: {  	[sflag:s10] =	ssyncset.done $0x0  }
0x25: {  	[sflag:s10] =	ssyncadd.s32 $0xFFFFEC40  }
0x26: {  	[bflag:$0x0] =	sbarrier.arrive $0xFFFF  }
0x27: {  	_ =	swait.ge [sflag:s21], $0x4000  }
0x28: {  	[sflag:s21] =	ssyncset.done $0x0  }
0x29: {  	s29 =	simm.s32 $0x5000;
	[sflag:s21] =	ssyncadd.s32 $0xFFFFC000  }
0x2a: {  	[spmem:s1] =	stream.indirect.scatter.add.f32 [tilespmem:s13], [sflag:$0x3], $0x40, s29, s12, $0xb8;
	[tilespmem:$0x1BE00] =	vst v63  }
0x2b: {  	_ =	swait.ge [sflag:s10], $0x2000  }
0x2c: {  	[sflag:s10] =	ssyncset.done $0x0  }
0x2d: {  	s29 =	simm.s32 $0x5080;
	[sflag:s10] =	ssyncadd.s32 $0xFFFFE000  }
0x2e: {  	[spmem:s1] =	stream.indirect.scatter.add.f32 [tilespmem:s14], [sflag:$0x3], $0x40, s29, s12, $0xb8;
	[tilespmem:$0x1BE00] =	vst v63  }
0x2f: {  	_ =	swait.ge [sflag:s10], $0x2000  }
0x30: {  	[sflag:s10] =	ssyncset.done $0x0  }
0x31: {  	s29 =	simm.s32 $0x200;
	[sflag:s10] =	ssyncadd.s32 $0xFFFFE000  }
0x32: {  	[tilespmem:s13], [sflag:$0x1] =	stream.indirect.gather [hbm4b:s6+s12], $0x40, s29, s12, $0xb8;
	[tilespmem:$0x1BE00] =	vst v63  }
0x33: {  	s29 =	simm.s32 $0x280  }
0x34: {  	[tilespmem:s14], [sflag:$0x1] =	stream.indirect.gather [hbm4b:s6+s12], $0x40, s29, s12, $0xb8;
	[tilespmem:$0x1BE00] =	vst v63  }
0x35: {  	_ =	swait.ge [sflag:s22], $0x4000  }
0x36: {  	[sflag:s22] =	ssyncset.done $0x0  }
0x37: {  	s29 =	simm.s32 $0x5100;
	[sflag:s22] =	ssyncadd.s32 $0xFFFFC000  }
0x38: {  	[spmem:s1] =	stream.indirect.scatter.add.f32 [tilespmem:s16], [sflag:$0x3], $0x40, s29, s12, $0xb8;
	[tilespmem:$0x1BE00] =	vst v63  }
0x39: {  	_ =	swait.ge [sflag:s10], $0x2000  }
0x3a: {  	[sflag:s10] =	ssyncset.done $0x0  }
0x3b: {  	s29 =	simm.s32 $0x5180;
	[sflag:s10] =	ssyncadd.s32 $0xFFFFE000  }
0x3c: {  	[spmem:s1] =	stream.indirect.scatter.add.f32 [tilespmem:s18], [sflag:$0x3], $0x40, s29, s12, $0xb8;
	[tilespmem:$0x1BE00] =	vst v63  }
0x3d: {  	_ =	swait.ge [sflag:s10], $0x2000  }
0x3e: {  	[sflag:s10] =	ssyncset.done $0x0  }
0x3f: {  	s29 =	simm.s32 $0x300;
	[sflag:s10] =	ssyncadd.s32 $0xFFFFE000  }
0x40: {  	[tilespmem:s16], [sflag:$0x2] =	stream.indirect.gather [hbm4b:s6+s12], $0x40, s29, s12, $0xb8;
	[tilespmem:$0x1BE00] =	vst v63  }
0x41: {  	s30 =	simm.s32 $0x380;
	s29 =	simm.s32 $0x800  }
.LBB2_2:
0x42: {  	[tilespmem:s18], [sflag:$0x2] =	stream.indirect.gather [hbm4b:s6+s12], $0x40, s30, s12, $0xb8;
	[tilespmem:$0x1BE00] =	vst v63  }
0x43: {  	s30 =	smov.u32 s29  }
0x44: {  	p0 =	sne.s32 s29, $0x13000;
	s29 =	sadd.s32 $0x800, s29;
	_ =	swait.ge [sflag:s21], $0x4000  }
0x45: {  	s30 =	sshra.s32 s30, $0x2;
	[sflag:s21] =	ssyncset.done $0x0  }
0x46: {  	s31 =	sadd.s32 $0x5000, s30;
	[sflag:s21] =	ssyncadd.s32 $0xFFFFC000  }
0x47: {  	[spmem:s1] =	stream.indirect.scatter.add.f32 [tilespmem:s13], [sflag:$0x3], $0x40, s31, s12, $0xb8;
	[tilespmem:$0x1BE00] =	vst v63  }
0x48: {  	_ =	swait.ge [sflag:s10], $0x2000  }
0x49: {  	[sflag:s10] =	ssyncset.done $0x0  }
0x4a: {  	s31 =	sadd.s32 $0x5080, s30;
	[sflag:s10] =	ssyncadd.s32 $0xFFFFE000  }
0x4b: {  	[spmem:s1] =	stream.indirect.scatter.add.f32 [tilespmem:s14], [sflag:$0x3], $0x40, s31, s12, $0xb8;
	[tilespmem:$0x1BE00] =	vst v63  }
0x4c: {  	_ =	swait.ge [sflag:s10], $0x2000  }
0x4d: {  	[sflag:s10] =	ssyncset.done $0x0  }
0x4e: {  	s31 =	sadd.s32 $0x200, s30;
	[sflag:s10] =	ssyncadd.s32 $0xFFFFE000  }
0x4f: {  	[tilespmem:s13], [sflag:$0x1] =	stream.indirect.gather [hbm4b:s6+s12], $0x40, s31, s12, $0xb8;
	[tilespmem:$0x1BE00] =	vst v63  }
0x50: {  	s31 =	sadd.s32 $0x280, s30  }
0x51: {  	[tilespmem:s14], [sflag:$0x1] =	stream.indirect.gather [hbm4b:s6+s12], $0x40, s31, s12, $0xb8;
	[tilespmem:$0x1BE00] =	vst v63  }
0x52: {  	_ =	swait.ge [sflag:s22], $0x4000  }
0x53: {  	[sflag:s22] =	ssyncset.done $0x0  }
0x54: {  	s31 =	sadd.s32 $0x5100, s30;
	[sflag:s22] =	ssyncadd.s32 $0xFFFFC000  }
0x55: {  	[spmem:s1] =	stream.indirect.scatter.add.f32 [tilespmem:s16], [sflag:$0x3], $0x40, s31, s12, $0xb8;
	[tilespmem:$0x1BE00] =	vst v63  }
0x56: {  	_ =	swait.ge [sflag:s10], $0x2000  }
0x57: {  	[sflag:s10] =	ssyncset.done $0x0  }
0x58: {  	s31 =	sadd.s32 $0x5180, s30;
	[sflag:s10] =	ssyncadd.s32 $0xFFFFE000  }
0x59: {  	[spmem:s1] =	stream.indirect.scatter.add.f32 [tilespmem:s18], [sflag:$0x3], $0x40, s31, s12, $0xb8;
	[tilespmem:$0x1BE00] =	vst v63  }
.Ltmp0:
0x5a: {  	_ =	swait.ge [sflag:s10], $0x2000;
	(pc) =	sbr.rel @p0 .LBB2_2-.Ltmp0, $4  }
0x5b: {  	[sflag:s10] =	ssyncset.done $0x0  }
0x5c: {  	s31 =	sadd.s32 $0x300, s30;
	[sflag:s10] =	ssyncadd.s32 $0xFFFFE000  }
0x5d: {  	[tilespmem:s16], [sflag:$0x2] =	stream.indirect.gather [hbm4b:s6+s12], $0x40, s31, s12, $0xb8;
	[tilespmem:$0x1BE00] =	vst v63  }
0x5e: {  	s30 =	sadd.s32 $0x380, s30  }
0x5f: {  	[tilespmem:s18], [sflag:$0x2] =	stream.indirect.gather [hbm4b:s6+s12], $0x40, s30, s12, $0xb8;
	[tilespmem:$0x1BE00] =	vst v63  }
0x60: {  	_ =	swait.ge [sflag:s21], $0x4000  }
0x61: {  	[sflag:s21] =	ssyncset.done $0x0  }
0x62: {  	[sflag:s21] =	ssyncadd.s32 $0xFFFFC000  }
0x63: {  	[spmem:s1] =	stream.indirect.scatter.add.f32 [tilespmem:s13], [sflag:$0x3], $0x40, s23, s12, $0xb8;
	[tilespmem:$0x1BE00] =	vst v63  }
0x64: {  	_ =	swait.ge [sflag:s10], $0x2000  }
0x65: {  	[sflag:s10] =	ssyncset.done $0x0  }
0x66: {  	[sflag:s10] =	ssyncadd.s32 $0xFFFFE000  }
0x67: {  	[spmem:s1] =	stream.indirect.scatter.add.f32 [tilespmem:s14], [sflag:$0x3], $0x40, s24, s12, $0xb8;
	[tilespmem:$0x1BE00] =	vst v63  }
0x68: {  	_ =	swait.ge [sflag:s10], $0x2000  }
0x69: {  	[sflag:s10] =	ssyncset.done $0x0  }
0x6a: {  	[sflag:s10] =	ssyncadd.s32 $0xFFFFE000  }
0x6b: {  	_ =	swait.ge [sflag:s22], $0x4000  }
0x6c: {  	[sflag:s22] =	ssyncset.done $0x0  }
0x6d: {  	[sflag:s22] =	ssyncadd.s32 $0xFFFFC000  }
0x6e: {  	[spmem:s1] =	stream.indirect.scatter.add.f32 [tilespmem:s16], [sflag:$0x3], $0x40, s25, s12, $0xb8;
	[tilespmem:$0x1BE00] =	vst v63  }
0x6f: {  	_ =	swait.ge [sflag:s10], $0x2000  }
0x70: {  	[sflag:s10] =	ssyncset.done $0x0  }
0x71: {  	[sflag:s10] =	ssyncadd.s32 $0xFFFFE000  }
0x72: {  	[spmem:s1] =	stream.indirect.scatter.add.f32 [tilespmem:s18], [sflag:$0x3], $0x40, s26, s12, $0xb8;
	[tilespmem:$0x1BE00] =	vst v63  }
0x73: {  	_ =	swait.ge [sflag:s10], $0x2000  }
0x74: {  	s28 =	sadd.s32 $0x1, s28;
	[sflag:s10] =	ssyncset.done $0x0  }
0x75: {  	p0 =	sne.s32 s28, s9;
	[sflag:s10] =	ssyncadd.s32 $0xFFFFE000  }
.Ltmp1:
0x76: {  	[bflag:$0x0] =	sbarrier.arrive $0xFFFF;
	(pc) =	sbr.rel @p0 .LBB2_1-.Ltmp1, $4  }
0x77: {  	[hbm:s8], [sflag:s19] =	dma.local [spmem:s20], $0x13C0  }
0x78: {  	_ =	swait.ge [sflag:s10], $0x13C0  }
0x79: {  	[sflag:s10] =	ssyncset.done $0x0  }
0x7a: {  	[sflag:s10] =	ssyncadd.s32 $0xFFFFEC40  }
0x7b: {  	_ =	sfence.sel $0x180000  }
0x7c: {  	[bflag:$0x0] =	sbarrier.arrive $0xFFFF  }
0x7d: {  	p0 =	sne.s32 s2, $0x0;
	_ =	strace $0x9000004A  }
0x7e: {  	s0 =	sadd.s32 @!p0 $0x100000, s0;
	[bflag:$0x2] =	sbarrier.arrive $0xFFFF  }
0x7f: {  	[sflag:s0] =	ssyncadd.tile.s32 @!p0 $0x1;
	_ =	shalt  }
.Lfunc_end2:
_tile_overlayer_lowered:
.L_overlay_start_2:
0x80: {  	(tag) =	ssettag $0x2  }
0x81: {  	s0 =	rddreg [dreg:$0x0];
	s2 =	stileid.u32  }
0x82: {  	s1 =	rddreg [dreg:$0x1];
	p0 =	sne.s32 s2, $0x0  }
0x83: {  	s3 =	rddreg [dreg:$0x2];
	[bflag:$0x3] =	sbarrier.arrive $0xFFFF;
	s2 =	simm.s32 @!p0 $0x1C03  }
0x84: {  	[timem:s3], [sflag:s2] =	dma.local @!p0 [hbm:s0], s1  }
0x85: {  	s0 =	simm.s32 @!p0 $0x3  }
0x86: {  	_ =	swait.ge @!p0 [sflag:s0], s1  }
0x87: {  	s1 =	ssub.s32 @!p0 $0x0, s1;
	[sflag:s0] =	ssyncset.done @!p0 $0x0  }
0x88: {  	[sflag:s0] =	ssyncadd.s32 @!p0 s1  }
0x89: {  	[bflag:$0x3] =	sbarrier.arrive $0xFFFF  }
0x8a: {  	_ =	shalt  }

// kernel: kernel.14.cloned.1.call-start
scs
__scs_entry_jumppad:
0x0: {  	(pc) =	sbr.rel $0x88, $3  }
0x1: {  	(tag) =	ssettag $0x0;
	lr =	simm.s32 $0x1  }
0x2: {  	[smem:$0x3F98] =	sst lr;
	_ =	strace $0xD0000000  }
0x3: {  	_ = 	snop  }
0x4: {  	_ = 	snop  }
0x5: {  	_ = 	snop  }
0x6: {  	_ = 	snop  }
0x7: {  	_ = 	snop  }
__scs_overlays_trampoline_lowered:
0x8: {  	[smem:$0x3FA7] =	sst s0  }
0x9: {  	[smem:$0x3FA8] =	sst s1  }
0xa: {  	[smem:$0x3FA9] =	sst s2  }
0xb: {  	[smem:$0x3FAA] =	sst s3  }
0xc: {  	[smem:$0x3FAB] =	sst s4  }
0xd: {  	[smem:$0x3FAC] =	sst s5  }
0xe: {  	[smem:$0x3FAD] =	sst s6  }
0xf: {  	[smem:$0x3FAE] =	sst s7  }
0x10: {  	[smem:$0x3FAF] =	sst s8  }
0x11: {  	[smem:$0x3FB0] =	sst s9;
	s0 =	simm.s32 @!p0 $0x0  }
0x12: {  	s1 =	sld [smem:$0x3F96];
	s0 =	simm.s32 @p0 $0x1  }
0x13: {  	[smem:$0x3FB1] =	sst s0;
	s0 =	simm.s32 @!p1 $0x0  }
0x14: {  	s2 =	sld [smem:$0x3F95];
	s0 =	simm.s32 @p1 $0x1  }
0x15: {  	[smem:$0x3FB2] =	sst s0;
	s0 =	simm.s32 @!p2 $0x0  }
0x16: {  	s3 =	sld [smem:$0x3FDB];
	s0 =	simm.s32 @p2 $0x1  }
0x17: {  	s4 =	simm.s32 $0x1BF5;
	[smem:$0x3FB4] =	sst s0  }
0x18: {  	s0 =	sld [smem:$0x3F97];
	_ =	swait.ge [sflag:s4], $0x0  }
0x19: {  	s7 =	sld [smem:$0x3F98]  }
0x1a: {  	s8 =	sadd.s32 $0xFFFFE003, lr  }
0x1b: {  	s9 =	sadd.s32 $0xFFFFFEF7, lr;
	s5 =	simm.s32 $0xFFFFFFFF;
	p2 =	slt.u32 s8, $0xFFFFF086  }
0x1c: {  	p1 =	slt.u32 s9, $0xF7A;
	s5 =	simm.s32 @!p2 $0x0  }
0x1d: {  	s5 =	simm.s32 @p1 $0x1;
	p0 =	seq.s32 s7, s2  }
0x1e: {  	s7 =	smul.u32 @!p0 $0xF7A, s2;
	p2 =	seq.s32 @!p0 s5, $0x0  }
0x1f: {  	s9 =	smul.u32 $0xF7A, s1;
	s8 =	simm.s32 @!p0 $0x1BF5;
	p2 =	por !p2, p0  }
0x20: {  	[sflag:s8] =	ssyncset.s32 @!p0 $0xFFFFF086;
	s6 =	sadd.s32 @!p0 s3, s7;
	s7 =	simm.s32 @!p0 $0x108  }
0x21: {  	s3 =	sadd.s32 s3, s9;
	s6 =	sadd.s32 @!p0 $0x88, s6;
	s7 =	simm.s32 @p2 $0x1082  }
0x22: {  	[simem:s7], [sflag:s8] =	dma.local @!p0 [hbm:s6], $0xF7A  }
0x23: {  	s9 =	sor.u32 $0xD0000000, s2;
	s6 =	simm.s32 $0x108;
	_ =	swait.ge @!p0 [sflag:s8], $0x0  }
0x24: {  	s3 =	sadd.s32 $0x88, s3;
	s6 =	simm.s32 @!p1 $0x1082;
	[sflag:s4] =	ssyncset.s32 $0xFFFFF086  }
0x25: {  	[simem:s6], [sflag:s4] =	dma.local [hbm:s3], $0xF7A  }
0x26: {  	[smem:$0x3F98] =	sst s1;
	(tag) =	ssettag s2;
	_ =	strace s9  }
0x27: {  	s1 =	sld [smem:$0x3FA8]  }
0x28: {  	s2 =	sld [smem:$0x3FA9]  }
0x29: {  	s4 =	sld [smem:$0x3FAB]  }
0x2a: {  	p0 =	seq.s32 s5, $0x0;
	s5 =	sld [smem:$0x3FAC]  }
0x2b: {  	s6 =	sld [smem:$0x3FAD]  }
0x2c: {  	s7 =	sld [smem:$0x3FAE]  }
0x2d: {  	s3 =	simm.s32 $0x108;
	s8 =	sld [smem:$0x3FAF]  }
0x2e: {  	s3 =	simm.s32 @!p0 $0x1082;
	s9 =	sld [smem:$0x3FB0]  }
0x2f: {  	lr =	sadd.s32 s0, s3;
	s0 =	sld [smem:$0x3FA7]  }
0x30: {  	s3 =	sld [smem:$0x3FAA]  }
0x31: {  	[smem:$0x3FB3] =	sst s10  }
0x32: {  	s10 =	sld [smem:$0x3FB1];
	_ =	sdelay $0x3  }
0x33: {  	p0 =	seq.s32 s10, $0x1;
	s10 =	sld [smem:$0x3FB3];
	_ =	sdelay $0x3  }
0x34: {  	[smem:$0x3FB3] =	sst s10  }
0x35: {  	s10 =	sld [smem:$0x3FB2];
	_ =	sdelay $0x3  }
0x36: {  	p1 =	seq.s32 s10, $0x1;
	s10 =	sld [smem:$0x3FB3];
	_ =	sdelay $0x3  }
0x37: {  	[smem:$0x3FB3] =	sst s10  }
0x38: {  	s10 =	sld [smem:$0x3FB4]  }
0x39: {  	_ = 	snop;
	(pc) =	sbr.ind lr, $3  }
0x3a: {  	_ = 	snop  }
0x3b: {  	_ = 	snop  }
0x3c: {  	p2 =	seq.s32 s10, $0x1;
	s10 =	sld [smem:$0x3FB3]  }
0x3d: {  	_ =	shalt  }
0x3e: {  	_ =	shalt  }
0x3f: {  	_ =	shalt  }
0x40: {  	_ =	shalt  }
0x41: {  	_ =	shalt  }
0x42: {  	_ =	shalt  }
0x43: {  	_ =	shalt  }
0x44: {  	_ =	shalt  }
0x45: {  	_ =	shalt  }
0x46: {  	_ =	shalt  }
0x47: {  	_ =	shalt  }
0x48: {  	_ =	shalt  }
0x49: {  	_ =	shalt  }
0x4a: {  	_ =	shalt  }
0x4b: {  	_ =	shalt  }
0x4c: {  	_ =	shalt  }
0x4d: {  	_ =	shalt  }
0x4e: {  	_ =	shalt  }
0x4f: {  	_ =	shalt  }
0x50: {  	_ =	shalt  }
0x51: {  	_ =	shalt  }
0x52: {  	_ =	shalt  }
0x53: {  	_ =	shalt  }
0x54: {  	_ =	shalt  }
0x55: {  	_ =	shalt  }
0x56: {  	_ =	shalt  }
0x57: {  	_ =	shalt  }
0x58: {  	_ =	shalt  }
0x59: {  	_ =	shalt  }
0x5a: {  	_ =	shalt  }
0x5b: {  	_ =	shalt  }
0x5c: {  	_ =	shalt  }
0x5d: {  	_ =	shalt  }
0x5e: {  	_ =	shalt  }
0x5f: {  	_ =	shalt  }
0x60: {  	_ =	shalt  }
0x61: {  	_ =	shalt  }
0x62: {  	_ =	shalt  }
0x63: {  	_ =	shalt  }
0x64: {  	_ =	shalt  }
0x65: {  	_ =	shalt  }
0x66: {  	_ =	shalt  }
0x67: {  	_ =	shalt  }
0x68: {  	_ =	shalt  }
0x69: {  	_ =	shalt  }
0x6a: {  	_ =	shalt  }
0x6b: {  	_ =	shalt  }
0x6c: {  	_ =	shalt  }
0x6d: {  	_ =	shalt  }
0x6e: {  	_ =	shalt  }
0x6f: {  	_ =	shalt  }
0x70: {  	_ =	shalt  }
0x71: {  	_ =	shalt  }
0x72: {  	_ =	shalt  }
0x73: {  	_ =	shalt  }
0x74: {  	_ =	shalt  }
0x75: {  	_ =	shalt  }
0x76: {  	_ =	shalt  }
0x77: {  	_ =	shalt  }
0x78: {  	_ =	shalt  }
0x79: {  	_ =	shalt  }
0x7a: {  	_ =	shalt  }
0x7b: {  	_ =	shalt  }
0x7c: {  	_ =	shalt  }
0x7d: {  	_ =	shalt  }
0x7e: {  	_ =	shalt  }
0x7f: {  	_ =	shalt  }
0x80: {  	_ =	shalt  }
0x81: {  	_ =	shalt  }
0x82: {  	_ =	shalt  }
0x83: {  	_ =	shalt  }
0x84: {  	_ =	shalt  }
0x85: {  	_ =	shalt  }
0x86: {  	_ =	shalt  }
0x87: {  	_ =	shalt  }
.Lfunc_end0:
.L_simem_size_0:
called_computation.2_lowered:
.L_overlay_start_0:
0x88: {  	s2 =	sld [smem:$0x3FD9]  }
0x89: {  	s3 =	sld [smem:$0x3FFE];
	_ =	sdelay $0x1  }
0x8a: {  	s1 =	srdreg.scid  }
0x8b: {  	s0 =	sand.u32 $0x1, s1  }
0x8c: {  	s17 =	sshll.u32 s0, $0xA;
	s2 =	sadd.s32 s3, s2  }
0x8d: {  	s2 =	sadd.s32 s2, s17  }
0x8e: {  	[smem:$0x3FBF] =	sst s2  }
0x8f: {  	_ = 	snop  }
0x90: {  	s2 =	sld [smem:$0x3FD0];
	(tm) =	ssettm $0x1  }
0x91: {  	s18 =	sld [smem:$0x3FFB];
	_ =	sdelay $0x3  }
0x92: {  	_ =	strace s18  }
0x93: {  	s3 =	sld [smem:$0x3FFC];
	_ =	sdelay $0x3  }
0x94: {  	_ =	strace s3  }
0x95: {  	s3 =	sld [smem:$0x3FFD];
	_ =	sdelay $0x3  }
0x96: {  	_ =	strace s3  }
0x97: {  	_ =	strace $0x8FFFFFFF  }
0x98: {  	s19 =	sld [smem:$0x3FDB];
	_ =	sdelay $0x1  }
0x99: {  	s4 =	simm.s32 $_scs_section_size  }
0x9a: {  	s5 =	simm.s32 $_size__tile_overlayer_lowered;
	s6 =	simm.s32 $_tile_overlayer_lowered  }
0x9b: {  	s22 =	simm.s32 $0x1BFF;
	s21 =	sshll.u32 s6, $0x1;
	s3 =	sadd.s32 s4, s19  }
0x9c: {  	s7 =	simm.s32 $0x0;
	s20 =	sshll.u32 s5, $0x1;
	s5 =	sadd.s32 s21, s3  }
0x9d: {  	[timem:s7], [sflag:s22] =	dma.local [hbm:s5], s20  }
0x9e: {  	_ =	swait.ge [sflag:s22], s20  }
0x9f: {  	s4 =	ssub.s32 $0x0, s20;
	[sflag:s22] =	ssyncset.done $0x0  }
0xa0: {  	[sflag:s22] =	ssyncadd.s32 s4;
	_ =	sdelay $0x1  }
0xa1: {  	s23 =	simm.s32 $0x1B8B  }
0xa2: {  	_ =	swait.ge [sflag:s23], $0x1  }
0xa3: {  	[sflag:s23] =	ssyncset.done $0x0  }
0xa4: {  	s25 =	simm.s32 $0x1B8E;
	s24 =	sld [smem:$0x3FFE];
	[sflag:s23] =	ssyncadd.s32 $0xFFFFFFFF  }
0xa5: {  	s26 =	simm.s32 $execute0_lowered;
	[smem:$0x3FD2] =	sst s25  }
0xa6: {  	s5 =	sshll.u32 s26, $0x1;
	_ =	strace $0x8000004C;
	[dreg:$0x1] =	wrdreg $0xFFFFFFFF  }
0xa7: {  	s28 =	simm.s32 $_size_execute0_lowered;
	s3 =	sadd.s32 s3, s5;
	[dreg:$0x0] =	wrdreg $0x0  }
0xa8: {  	s5 =	sshll.u32 s28, $0x1;
	[dreg:$0x2] =	wrdreg s3  }
0xa9: {  	[dreg:$0x3] =	wrdreg s5  }
0xaa: {  	[dreg:$0x4] =	wrdreg $0xC0  }
0xab: {  	_ =	task [dreg:s7], $0x5FFFF  }
0xac: {  	[dreg:$0x1] =	wrdreg $0xFFFFFFFF  }
0xad: {  	[dreg:$0x0] =	wrdreg $0x60  }
0xae: {  	[dreg:$0x2] =	wrdreg s24  }
0xaf: {  	[dreg:$0x3] =	wrdreg s2  }
0xb0: {  	[dreg:$0x4] =	wrdreg $0x120000  }
0xb1: {  	[dreg:$0x5] =	wrdreg $0x9  }
0xb2: {  	_ =	task.clear_ibuf [dreg:s7], $0x6FFFF;
	_ =	strace $0x9000004C  }
0xb3: {  	s29 =	simm.s32 $0x9;
	_ =	strace $0x8000004E  }
0xb4: {  	_ =	swait.ge [sflag:s29], $0x1  }
0xb5: {  	[sflag:s29] =	ssyncadd.s32 $0xFFFFFFFF  }
0xb6: {  	_ =	strace $0x9000004E  }
0xb7: {  	_ =	sfence  }
0xb8: {  	s30 =	sld [smem:$0x0];
	_ =	sdelay $0x2  }
0xb9: {  	s31 =	sshll.u32 s1, $0xD;
	s1 =	sshrl.u32 s1, $0x2  }
0xba: {  	s3 =	sand.u32 $0x4000, s31;
	s1 =	sadd.s32 s1, s30  }
0xbb: {  	s0 =	sor.u32 s3, s0;
	s1 =	sshll.u32 s1, $0x11  }
0xbc: {  	s0 =	sor.u32 s1, s0  }
0xbd: {  	s0 =	sadd.s32 $0x8F2B, s0  }
0xbe: {  	[sflag:s0] =	ssyncadd.remote.s32 $0x1  }
0xbf: {  	_ =	sfence.sel $0xFFFF  }
0xc0: {  	[dreg:$0x0] =	wrdreg $0xFFFFFFFF;
	(pc) =	sbr.abs _section_cstart, $3  }
0xc1: {  	[dreg:$0x1] =	wrdreg $0xFFFFFFFF  }
0xc2: {  	_ =	task.clear_ibuf [dreg:s7], $0x2FFFF;
	_ =	strace $0x9FFFFFFF  }
0xc3: {  	(tm) =	ssettm $0x7FFFFFFF  }
tec
execute0_lowered:
.L_overlay_start_1:
0x0: {  	(tag) =	ssettag $0x1  }
0x1: {  	s4 =	rddreg [dreg:$0x0]  }
0x2: {  	s7 =	rddreg [dreg:$0x1]  }
0x3: {  	s1 =	rddreg [dreg:$0x2];
	s2 =	srdreg.scid  }
0x4: {  	s0 =	rddreg [dreg:$0x3];
	s3 =	simm.s32 $0x0;
	s13 =	simm.s32 $0xA000  }
0x5: {  	s14 =	simm.s32 $0xC000;
	s15 =	simm.s32 $0x100;
	s16 =	simm.s32 $0xE000  }
0x6: {  	s17 =	simm.s32 $0x180;
	s18 =	simm.s32 $0x10000;
	s21 =	simm.s32 $0x1  }
0x7: {  	s22 =	simm.s32 $0x2;
	s23 =	simm.s32 $0x9E00;
	s24 =	simm.s32 $0x9E80  }
0x8: {  	s25 =	simm.s32 $0x9F00;
	s5 =	sand.u32 $0x1, s2;
	s2 =	stileid.u32  }
0x9: {  	s26 =	simm.s32 $0x9F80;
	[smem:$0x7FF] =	sst s3;
	s6 =	smul.u32 $0x9E000, s5  }
0xa: {  	s28 =	simm.s32 $0x0;
	s8 =	smul.u32 $0x9E00, s2;
	_ =	strace $0x8000004D  }
0xb: {  	s10 =	smul.u32 $0xA00, s2;
	s5 =	ssub.s32 $0x2, s5;
	s19 =	sshll.u32 s2, $0x6  }
0xc: {  	s11 =	sshrl.u32 s5, $0x1;
	s19 =	sor.u32 $0x1C03, s19;
	s9 =	sshrl.u32 s6, $0x3  }
0xd: {  	s6 =	sadd.s32 s8, s6;
	s10 =	sadd.s32 s10, s4;
	s11 =	ssub.s32 s5, s11  }
0xe: {  	s31 =	sshrl.u32 s8, $0x3;
	s20 =	sadd.s32 s8, s1;
	s9 =	sadd.s32 s9, s4  }
0xf: {  	s6 =	sshrl.u32 s6, $0x3;
	s5 =	sadd.s32 $0x1C00, s10;
	s7 =	sadd.s32 s7, s31  }
0x10: {  	s20 =	sshrl.u32 s20, $0x3;
	s12 =	sadd.s32 s6, s4;
	s4 =	sadd.s32 $0xBC00, s10  }
0x11: {  	s6 =	sadd.s32 $0x64C00, s9;
	s9 =	smax.u32 s11, $0x1;
	s10 =	simm.s32 $0x3  }
0x12: {  	s11 =	simm.s32 $0x5000;
	s8 =	sadd.s32 $0x8C400, s12;
	s12 =	simm.s32 $0x80  }
.LBB2_1:
0x13: {  	[tilespmem:s3], [sflag:$0x3] =	stream.linear.gather [hbm4b:s4+s3], $0x5000, $0x38;
	[tilespmem:$0x1BE00] =	vst v63  }
0x14: {  	_ =	swait.ge [sflag:s10], $0x5000  }
0x15: {  	[sflag:s10] =	ssyncset.done $0x0  }
0x16: {  	[sflag:s10] =	ssyncadd.s32 $0xFFFFB000  }
0x17: {  	[tilespmem:s11], [sflag:$0x3] =	stream.linear.gather [hbm4b:s5+s3], $0x5000, $0x38;
	[tilespmem:$0x1BE00] =	vst v63  }
0x18: {  	_ =	swait.ge [sflag:s10], $0x5000  }
0x19: {  	[sflag:s10] =	ssyncset.done $0x0  }
0x1a: {  	[sflag:s10] =	ssyncadd.s32 $0xFFFFB000  }
0x1b: {  	[tilespmem:s13], [sflag:$0x1] =	stream.indirect.gather [hbm4b:s6+s12], $0x40, s3, s12, $0xb8;
	[tilespmem:$0x1BE00] =	vst v63  }
0x1c: {  	_ = 	snop  }
0x1d: {  	[tilespmem:s14], [sflag:$0x1] =	stream.indirect.gather [hbm4b:s6+s12], $0x40, s12, s12, $0xb8;
	[tilespmem:$0x1BE00] =	vst v63  }
0x1e: {  	_ = 	snop  }
0x1f: {  	[tilespmem:s16], [sflag:$0x2] =	stream.indirect.gather [hbm4b:s6+s12], $0x40, s15, s12, $0xb8;
	[tilespmem:$0x1BE00] =	vst v63  }
0x20: {  	_ = 	snop  }
0x21: {  	[tilespmem:s18], [sflag:$0x2] =	stream.indirect.gather [hbm4b:s6+s12], $0x40, s17, s12, $0xb8;
	[tilespmem:$0x1BE00] =	vst v63  }
0x22: {  	[spmem:s20], [sflag:s19] =	dma.local [hbm:s7], $0x13C0  }
0x23: {  	_ =	swait.ge [sflag:s10], $0x13C0  }
0x24: {  	[sflag:s10] =	ssyncset.done $0x0  }
0x25: {  	[sflag:s10] =	ssyncadd.s32 $0xFFFFEC40  }
0x26: {  	[bflag:$0x0] =	sbarrier.arrive $0xFFFF  }
0x27: {  	_ =	swait.ge [sflag:s21], $0x4000  }
0x28: {  	[sflag:s21] =	ssyncset.done $0x0  }
0x29: {  	s29 =	simm.s32 $0x5000;
	[sflag:s21] =	ssyncadd.s32 $0xFFFFC000  }
0x2a: {  	[spmem:s1] =	stream.indirect.scatter.add.f32 [tilespmem:s13], [sflag:$0x3], $0x40, s29, s12, $0xb8;
	[tilespmem:$0x1BE00] =	vst v63  }
0x2b: {  	_ =	swait.ge [sflag:s10], $0x2000  }
0x2c: {  	[sflag:s10] =	ssyncset.done $0x0  }
0x2d: {  	s29 =	simm.s32 $0x5080;
	[sflag:s10] =	ssyncadd.s32 $0xFFFFE000  }
0x2e: {  	[spmem:s1] =	stream.indirect.scatter.add.f32 [tilespmem:s14], [sflag:$0x3], $0x40, s29, s12, $0xb8;
	[tilespmem:$0x1BE00] =	vst v63  }
0x2f: {  	_ =	swait.ge [sflag:s10], $0x2000  }
0x30: {  	[sflag:s10] =	ssyncset.done $0x0  }
0x31: {  	s29 =	simm.s32 $0x200;
	[sflag:s10] =	ssyncadd.s32 $0xFFFFE000  }
0x32: {  	[tilespmem:s13], [sflag:$0x1] =	stream.indirect.gather [hbm4b:s6+s12], $0x40, s29, s12, $0xb8;
	[tilespmem:$0x1BE00] =	vst v63  }
0x33: {  	s29 =	simm.s32 $0x280  }
0x34: {  	[tilespmem:s14], [sflag:$0x1] =	stream.indirect.gather [hbm4b:s6+s12], $0x40, s29, s12, $0xb8;
	[tilespmem:$0x1BE00] =	vst v63  }
0x35: {  	_ =	swait.ge [sflag:s22], $0x4000  }
0x36: {  	[sflag:s22] =	ssyncset.done $0x0  }
0x37: {  	s29 =	simm.s32 $0x5100;
	[sflag:s22] =	ssyncadd.s32 $0xFFFFC000  }
0x38: {  	[spmem:s1] =	stream.indirect.scatter.add.f32 [tilespmem:s16], [sflag:$0x3], $0x40, s29, s12, $0xb8;
	[tilespmem:$0x1BE00] =	vst v63  }
0x39: {  	_ =	swait.ge [sflag:s10], $0x2000  }
0x3a: {  	[sflag:s10] =	ssyncset.done $0x0  }
0x3b: {  	s29 =	simm.s32 $0x5180;
	[sflag:s10] =	ssyncadd.s32 $0xFFFFE000  }
0x3c: {  	[spmem:s1] =	stream.indirect.scatter.add.f32 [tilespmem:s18], [sflag:$0x3], $0x40, s29, s12, $0xb8;
	[tilespmem:$0x1BE00] =	vst v63  }
0x3d: {  	_ =	swait.ge [sflag:s10], $0x2000  }
0x3e: {  	[sflag:s10] =	ssyncset.done $0x0  }
0x3f: {  	s29 =	simm.s32 $0x300;
	[sflag:s10] =	ssyncadd.s32 $0xFFFFE000  }
0x40: {  	[tilespmem:s16], [sflag:$0x2] =	stream.indirect.gather [hbm4b:s6+s12], $0x40, s29, s12, $0xb8;
	[tilespmem:$0x1BE00] =	vst v63  }
0x41: {  	s30 =	simm.s32 $0x380;
	s29 =	simm.s32 $0x800  }
.LBB2_2:
0x42: {  	[tilespmem:s18], [sflag:$0x2] =	stream.indirect.gather [hbm4b:s6+s12], $0x40, s30, s12, $0xb8;
	[tilespmem:$0x1BE00] =	vst v63  }
0x43: {  	s30 =	smov.u32 s29  }
0x44: {  	p0 =	sne.s32 s29, $0x13000;
	s29 =	sadd.s32 $0x800, s29;
	_ =	swait.ge [sflag:s21], $0x4000  }
0x45: {  	s30 =	sshra.s32 s30, $0x2;
	[sflag:s21] =	ssyncset.done $0x0  }
0x46: {  	s31 =	sadd.s32 $0x5000, s30;
	[sflag:s21] =	ssyncadd.s32 $0xFFFFC000  }
0x47: {  	[spmem:s1] =	stream.indirect.scatter.add.f32 [tilespmem:s13], [sflag:$0x3], $0x40, s31, s12, $0xb8;
	[tilespmem:$0x1BE00] =	vst v63  }
0x48: {  	_ =	swait.ge [sflag:s10], $0x2000  }
0x49: {  	[sflag:s10] =	ssyncset.done $0x0  }
0x4a: {  	s31 =	sadd.s32 $0x5080, s30;
	[sflag:s10] =	ssyncadd.s32 $0xFFFFE000  }
0x4b: {  	[spmem:s1] =	stream.indirect.scatter.add.f32 [tilespmem:s14], [sflag:$0x3], $0x40, s31, s12, $0xb8;
	[tilespmem:$0x1BE00] =	vst v63  }
0x4c: {  	_ =	swait.ge [sflag:s10], $0x2000  }
0x4d: {  	[sflag:s10] =	ssyncset.done $0x0  }
0x4e: {  	s31 =	sadd.s32 $0x200, s30;
	[sflag:s10] =	ssyncadd.s32 $0xFFFFE000  }
0x4f: {  	[tilespmem:s13], [sflag:$0x1] =	stream.indirect.gather [hbm4b:s6+s12], $0x40, s31, s12, $0xb8;
	[tilespmem:$0x1BE00] =	vst v63  }
0x50: {  	s31 =	sadd.s32 $0x280, s30  }
0x51: {  	[tilespmem:s14], [sflag:$0x1] =	stream.indirect.gather [hbm4b:s6+s12], $0x40, s31, s12, $0xb8;
	[tilespmem:$0x1BE00] =	vst v63  }
0x52: {  	_ =	swait.ge [sflag:s22], $0x4000  }
0x53: {  	[sflag:s22] =	ssyncset.done $0x0  }
0x54: {  	s31 =	sadd.s32 $0x5100, s30;
	[sflag:s22] =	ssyncadd.s32 $0xFFFFC000  }
0x55: {  	[spmem:s1] =	stream.indirect.scatter.add.f32 [tilespmem:s16], [sflag:$0x3], $0x40, s31, s12, $0xb8;
	[tilespmem:$0x1BE00] =	vst v63  }
0x56: {  	_ =	swait.ge [sflag:s10], $0x2000  }
0x57: {  	[sflag:s10] =	ssyncset.done $0x0  }
0x58: {  	s31 =	sadd.s32 $0x5180, s30;
	[sflag:s10] =	ssyncadd.s32 $0xFFFFE000  }
0x59: {  	[spmem:s1] =	stream.indirect.scatter.add.f32 [tilespmem:s18], [sflag:$0x3], $0x40, s31, s12, $0xb8;
	[tilespmem:$0x1BE00] =	vst v63  }
.Ltmp0:
0x5a: {  	_ =	swait.ge [sflag:s10], $0x2000;
	(pc) =	sbr.rel @p0 .LBB2_2-.Ltmp0, $4  }
0x5b: {  	[sflag:s10] =	ssyncset.done $0x0  }
0x5c: {  	s31 =	sadd.s32 $0x300, s30;
	[sflag:s10] =	ssyncadd.s32 $0xFFFFE000  }
0x5d: {  	[tilespmem:s16], [sflag:$0x2] =	stream.indirect.gather [hbm4b:s6+s12], $0x40, s31, s12, $0xb8;
	[tilespmem:$0x1BE00] =	vst v63  }
0x5e: {  	s30 =	sadd.s32 $0x380, s30  }
0x5f: {  	[tilespmem:s18], [sflag:$0x2] =	stream.indirect.gather [hbm4b:s6+s12], $0x40, s30, s12, $0xb8;
	[tilespmem:$0x1BE00] =	vst v63  }
0x60: {  	_ =	swait.ge [sflag:s21], $0x4000  }
0x61: {  	[sflag:s21] =	ssyncset.done $0x0  }
0x62: {  	[sflag:s21] =	ssyncadd.s32 $0xFFFFC000  }
0x63: {  	[spmem:s1] =	stream.indirect.scatter.add.f32 [tilespmem:s13], [sflag:$0x3], $0x40, s23, s12, $0xb8;
	[tilespmem:$0x1BE00] =	vst v63  }
0x64: {  	_ =	swait.ge [sflag:s10], $0x2000  }
0x65: {  	[sflag:s10] =	ssyncset.done $0x0  }
0x66: {  	[sflag:s10] =	ssyncadd.s32 $0xFFFFE000  }
0x67: {  	[spmem:s1] =	stream.indirect.scatter.add.f32 [tilespmem:s14], [sflag:$0x3], $0x40, s24, s12, $0xb8;
	[tilespmem:$0x1BE00] =	vst v63  }
0x68: {  	_ =	swait.ge [sflag:s10], $0x2000  }
0x69: {  	[sflag:s10] =	ssyncset.done $0x0  }
0x6a: {  	[sflag:s10] =	ssyncadd.s32 $0xFFFFE000  }
0x6b: {  	_ =	swait.ge [sflag:s22], $0x4000  }
0x6c: {  	[sflag:s22] =	ssyncset.done $0x0  }
0x6d: {  	[sflag:s22] =	ssyncadd.s32 $0xFFFFC000  }
0x6e: {  	[spmem:s1] =	stream.indirect.scatter.add.f32 [tilespmem:s16], [sflag:$0x3], $0x40, s25, s12, $0xb8;
	[tilespmem:$0x1BE00] =	vst v63  }
0x6f: {  	_ =	swait.ge [sflag:s10], $0x2000  }
0x70: {  	[sflag:s10] =	ssyncset.done $0x0  }
0x71: {  	[sflag:s10] =	ssyncadd.s32 $0xFFFFE000  }
0x72: {  	[spmem:s1] =	stream.indirect.scatter.add.f32 [tilespmem:s18], [sflag:$0x3], $0x40, s26, s12, $0xb8;
	[tilespmem:$0x1BE00] =	vst v63  }
0x73: {  	_ =	swait.ge [sflag:s10], $0x2000  }
0x74: {  	s28 =	sadd.s32 $0x1, s28;
	[sflag:s10] =	ssyncset.done $0x0  }
0x75: {  	p0 =	sne.s32 s28, s9;
	[sflag:s10] =	ssyncadd.s32 $0xFFFFE000  }
.Ltmp1:
0x76: {  	[bflag:$0x0] =	sbarrier.arrive $0xFFFF;
	(pc) =	sbr.rel @p0 .LBB2_1-.Ltmp1, $4  }
0x77: {  	[hbm:s8], [sflag:s19] =	dma.local [spmem:s20], $0x13C0  }
0x78: {  	_ =	swait.ge [sflag:s10], $0x13C0  }
0x79: {  	[sflag:s10] =	ssyncset.done $0x0  }
0x7a: {  	[sflag:s10] =	ssyncadd.s32 $0xFFFFEC40  }
0x7b: {  	_ =	sfence.sel $0x180000  }
0x7c: {  	[bflag:$0x0] =	sbarrier.arrive $0xFFFF  }
0x7d: {  	p0 =	sne.s32 s2, $0x0;
	_ =	strace $0x9000004D  }
0x7e: {  	s0 =	sadd.s32 @!p0 $0x100000, s0;
	[bflag:$0x2] =	sbarrier.arrive $0xFFFF  }
0x7f: {  	[sflag:s0] =	ssyncadd.tile.s32 @!p0 $0x1;
	_ =	shalt  }
.Lfunc_end2:
_tile_overlayer_lowered:
.L_overlay_start_2:
0x80: {  	(tag) =	ssettag $0x2  }
0x81: {  	s0 =	rddreg [dreg:$0x0];
	s2 =	stileid.u32  }
0x82: {  	s1 =	rddreg [dreg:$0x1];
	p0 =	sne.s32 s2, $0x0  }
0x83: {  	s3 =	rddreg [dreg:$0x2];
	[bflag:$0x3] =	sbarrier.arrive $0xFFFF;
	s2 =	simm.s32 @!p0 $0x1C03  }
0x84: {  	[timem:s3], [sflag:s2] =	dma.local @!p0 [hbm:s0], s1  }
0x85: {  	s0 =	simm.s32 @!p0 $0x3  }
0x86: {  	_ =	swait.ge @!p0 [sflag:s0], s1  }
0x87: {  	s1 =	ssub.s32 @!p0 $0x0, s1;
	[sflag:s0] =	ssyncset.done @!p0 $0x0  }
0x88: {  	[sflag:s0] =	ssyncadd.s32 @!p0 s1  }
0x89: {  	[bflag:$0x3] =	sbarrier.arrive $0xFFFF  }
0x8a: {  	_ =	shalt  }

// kernel: kernel.8.cloned.1.call-start
scs
__scs_entry_jumppad:
0x0: {  	(pc) =	sbr.rel $0x88, $3  }
0x1: {  	(tag) =	ssettag $0x0;
	lr =	simm.s32 $0x1  }
0x2: {  	[smem:$0x3F98] =	sst lr;
	_ =	strace $0xD0000000  }
0x3: {  	_ = 	snop  }
0x4: {  	_ = 	snop  }
0x5: {  	_ = 	snop  }
0x6: {  	_ = 	snop  }
0x7: {  	_ = 	snop  }
__scs_overlays_trampoline_lowered:
0x8: {  	[smem:$0x3FA7] =	sst s0  }
0x9: {  	[smem:$0x3FA8] =	sst s1  }
0xa: {  	[smem:$0x3FA9] =	sst s2  }
0xb: {  	[smem:$0x3FAA] =	sst s3  }
0xc: {  	[smem:$0x3FAB] =	sst s4  }
0xd: {  	[smem:$0x3FAC] =	sst s5  }
0xe: {  	[smem:$0x3FAD] =	sst s6  }
0xf: {  	[smem:$0x3FAE] =	sst s7  }
0x10: {  	[smem:$0x3FAF] =	sst s8  }
0x11: {  	[smem:$0x3FB0] =	sst s9;
	s0 =	simm.s32 @!p0 $0x0  }
0x12: {  	s1 =	sld [smem:$0x3F96];
	s0 =	simm.s32 @p0 $0x1  }
0x13: {  	[smem:$0x3FB1] =	sst s0;
	s0 =	simm.s32 @!p1 $0x0  }
0x14: {  	s2 =	sld [smem:$0x3F95];
	s0 =	simm.s32 @p1 $0x1  }
0x15: {  	[smem:$0x3FB2] =	sst s0;
	s0 =	simm.s32 @!p2 $0x0  }
0x16: {  	s3 =	sld [smem:$0x3FDB];
	s0 =	simm.s32 @p2 $0x1  }
0x17: {  	s4 =	simm.s32 $0x1BF5;
	[smem:$0x3FB4] =	sst s0  }
0x18: {  	s0 =	sld [smem:$0x3F97];
	_ =	swait.ge [sflag:s4], $0x0  }
0x19: {  	s7 =	sld [smem:$0x3F98]  }
0x1a: {  	s8 =	sadd.s32 $0xFFFFE003, lr  }
0x1b: {  	s9 =	sadd.s32 $0xFFFFFEF7, lr;
	s5 =	simm.s32 $0xFFFFFFFF;
	p2 =	slt.u32 s8, $0xFFFFF086  }
0x1c: {  	p1 =	slt.u32 s9, $0xF7A;
	s5 =	simm.s32 @!p2 $0x0  }
0x1d: {  	s5 =	simm.s32 @p1 $0x1;
	p0 =	seq.s32 s7, s2  }
0x1e: {  	s7 =	smul.u32 @!p0 $0xF7A, s2;
	p2 =	seq.s32 @!p0 s5, $0x0  }
0x1f: {  	s9 =	smul.u32 $0xF7A, s1;
	s8 =	simm.s32 @!p0 $0x1BF5;
	p2 =	por !p2, p0  }
0x20: {  	[sflag:s8] =	ssyncset.s32 @!p0 $0xFFFFF086;
	s6 =	sadd.s32 @!p0 s3, s7;
	s7 =	simm.s32 @!p0 $0x108  }
0x21: {  	s3 =	sadd.s32 s3, s9;
	s6 =	sadd.s32 @!p0 $0x88, s6;
	s7 =	simm.s32 @p2 $0x1082  }
0x22: {  	[simem:s7], [sflag:s8] =	dma.local @!p0 [hbm:s6], $0xF7A  }
0x23: {  	s9 =	sor.u32 $0xD0000000, s2;
	s6 =	simm.s32 $0x108;
	_ =	swait.ge @!p0 [sflag:s8], $0x0  }
0x24: {  	s3 =	sadd.s32 $0x88, s3;
	s6 =	simm.s32 @!p1 $0x1082;
	[sflag:s4] =	ssyncset.s32 $0xFFFFF086  }
0x25: {  	[simem:s6], [sflag:s4] =	dma.local [hbm:s3], $0xF7A  }
0x26: {  	[smem:$0x3F98] =	sst s1;
	(tag) =	ssettag s2;
	_ =	strace s9  }
0x27: {  	s1 =	sld [smem:$0x3FA8]  }
0x28: {  	s2 =	sld [smem:$0x3FA9]  }
0x29: {  	s4 =	sld [smem:$0x3FAB]  }
0x2a: {  	p0 =	seq.s32 s5, $0x0;
	s5 =	sld [smem:$0x3FAC]  }
0x2b: {  	s6 =	sld [smem:$0x3FAD]  }
0x2c: {  	s7 =	sld [smem:$0x3FAE]  }
0x2d: {  	s3 =	simm.s32 $0x108;
	s8 =	sld [smem:$0x3FAF]  }
0x2e: {  	s3 =	simm.s32 @!p0 $0x1082;
	s9 =	sld [smem:$0x3FB0]  }
0x2f: {  	lr =	sadd.s32 s0, s3;
	s0 =	sld [smem:$0x3FA7]  }
0x30: {  	s3 =	sld [smem:$0x3FAA]  }
0x31: {  	[smem:$0x3FB3] =	sst s10  }
0x32: {  	s10 =	sld [smem:$0x3FB1];
	_ =	sdelay $0x3  }
0x33: {  	p0 =	seq.s32 s10, $0x1;
	s10 =	sld [smem:$0x3FB3];
	_ =	sdelay $0x3  }
0x34: {  	[smem:$0x3FB3] =	sst s10  }
0x35: {  	s10 =	sld [smem:$0x3FB2];
	_ =	sdelay $0x3  }
0x36: {  	p1 =	seq.s32 s10, $0x1;
	s10 =	sld [smem:$0x3FB3];
	_ =	sdelay $0x3  }
0x37: {  	[smem:$0x3FB3] =	sst s10  }
0x38: {  	s10 =	sld [smem:$0x3FB4]  }
0x39: {  	_ = 	snop;
	(pc) =	sbr.ind lr, $3  }
0x3a: {  	_ = 	snop  }
0x3b: {  	_ = 	snop  }
0x3c: {  	p2 =	seq.s32 s10, $0x1;
	s10 =	sld [smem:$0x3FB3]  }
0x3d: {  	_ =	shalt  }
0x3e: {  	_ =	shalt  }
0x3f: {  	_ =	shalt  }
0x40: {  	_ =	shalt  }
0x41: {  	_ =	shalt  }
0x42: {  	_ =	shalt  }
0x43: {  	_ =	shalt  }
0x44: {  	_ =	shalt  }
0x45: {  	_ =	shalt  }
0x46: {  	_ =	shalt  }
0x47: {  	_ =	shalt  }
0x48: {  	_ =	shalt  }
0x49: {  	_ =	shalt  }
0x4a: {  	_ =	shalt  }
0x4b: {  	_ =	shalt  }
0x4c: {  	_ =	shalt  }
0x4d: {  	_ =	shalt  }
0x4e: {  	_ =	shalt  }
0x4f: {  	_ =	shalt  }
0x50: {  	_ =	shalt  }
0x51: {  	_ =	shalt  }
0x52: {  	_ =	shalt  }
0x53: {  	_ =	shalt  }
0x54: {  	_ =	shalt  }
0x55: {  	_ =	shalt  }
0x56: {  	_ =	shalt  }
0x57: {  	_ =	shalt  }
0x58: {  	_ =	shalt  }
0x59: {  	_ =	shalt  }
0x5a: {  	_ =	shalt  }
0x5b: {  	_ =	shalt  }
0x5c: {  	_ =	shalt  }
0x5d: {  	_ =	shalt  }
0x5e: {  	_ =	shalt  }
0x5f: {  	_ =	shalt  }
0x60: {  	_ =	shalt  }
0x61: {  	_ =	shalt  }
0x62: {  	_ =	shalt  }
0x63: {  	_ =	shalt  }
0x64: {  	_ =	shalt  }
0x65: {  	_ =	shalt  }
0x66: {  	_ =	shalt  }
0x67: {  	_ =	shalt  }
0x68: {  	_ =	shalt  }
0x69: {  	_ =	shalt  }
0x6a: {  	_ =	shalt  }
0x6b: {  	_ =	shalt  }
0x6c: {  	_ =	shalt  }
0x6d: {  	_ =	shalt  }
0x6e: {  	_ =	shalt  }
0x6f: {  	_ =	shalt  }
0x70: {  	_ =	shalt  }
0x71: {  	_ =	shalt  }
0x72: {  	_ =	shalt  }
0x73: {  	_ =	shalt  }
0x74: {  	_ =	shalt  }
0x75: {  	_ =	shalt  }
0x76: {  	_ =	shalt  }
0x77: {  	_ =	shalt  }
0x78: {  	_ =	shalt  }
0x79: {  	_ =	shalt  }
0x7a: {  	_ =	shalt  }
0x7b: {  	_ =	shalt  }
0x7c: {  	_ =	shalt  }
0x7d: {  	_ =	shalt  }
0x7e: {  	_ =	shalt  }
0x7f: {  	_ =	shalt  }
0x80: {  	_ =	shalt  }
0x81: {  	_ =	shalt  }
0x82: {  	_ =	shalt  }
0x83: {  	_ =	shalt  }
0x84: {  	_ =	shalt  }
0x85: {  	_ =	shalt  }
0x86: {  	_ =	shalt  }
0x87: {  	_ =	shalt  }
.Lfunc_end0:
.L_simem_size_0:
called_computation_lowered:
.L_overlay_start_0:
0x88: {  	s2 =	sld [smem:$0x3FD9]  }
0x89: {  	s3 =	sld [smem:$0x3FFE];
	_ =	sdelay $0x1  }
0x8a: {  	s1 =	srdreg.scid  }
0x8b: {  	s0 =	sand.u32 $0x1, s1  }
0x8c: {  	s17 =	sshll.u32 s0, $0xA;
	s2 =	sadd.s32 s3, s2  }
0x8d: {  	s2 =	sadd.s32 s2, s17  }
0x8e: {  	[smem:$0x3FBF] =	sst s2  }
0x8f: {  	_ = 	snop  }
0x90: {  	s2 =	sld [smem:$0x3FD0];
	(tm) =	ssettm $0x1  }
0x91: {  	s18 =	sld [smem:$0x3FFB];
	_ =	sdelay $0x3  }
0x92: {  	_ =	strace s18  }
0x93: {  	s3 =	sld [smem:$0x3FFC];
	_ =	sdelay $0x3  }
0x94: {  	_ =	strace s3  }
0x95: {  	s3 =	sld [smem:$0x3FFD];
	_ =	sdelay $0x3  }
0x96: {  	_ =	strace s3  }
0x97: {  	_ =	strace $0x8FFFFFFF  }
0x98: {  	s19 =	sld [smem:$0x3FDB];
	_ =	sdelay $0x1  }
0x99: {  	s4 =	simm.s32 $_scs_section_size  }
0x9a: {  	s5 =	simm.s32 $_size__tile_overlayer_lowered;
	s6 =	simm.s32 $_tile_overlayer_lowered  }
0x9b: {  	s22 =	simm.s32 $0x1BFF;
	s21 =	sshll.u32 s6, $0x1;
	s3 =	sadd.s32 s4, s19  }
0x9c: {  	s7 =	simm.s32 $0x0;
	s20 =	sshll.u32 s5, $0x1;
	s5 =	sadd.s32 s21, s3  }
0x9d: {  	[timem:s7], [sflag:s22] =	dma.local [hbm:s5], s20  }
0x9e: {  	_ =	swait.ge [sflag:s22], s20  }
0x9f: {  	s4 =	ssub.s32 $0x0, s20;
	[sflag:s22] =	ssyncset.done $0x0  }
0xa0: {  	[sflag:s22] =	ssyncadd.s32 s4;
	_ =	sdelay $0x1  }
0xa1: {  	s23 =	simm.s32 $0x1B8B  }
0xa2: {  	_ =	swait.ge [sflag:s23], $0x1  }
0xa3: {  	[sflag:s23] =	ssyncset.done $0x0  }
0xa4: {  	s25 =	simm.s32 $0x1B8E;
	s24 =	sld [smem:$0x3FFE];
	[sflag:s23] =	ssyncadd.s32 $0xFFFFFFFF  }
0xa5: {  	s26 =	simm.s32 $execute0_lowered;
	[smem:$0x3FD2] =	sst s25  }
0xa6: {  	s5 =	sshll.u32 s26, $0x1;
	_ =	strace $0x80000046;
	[dreg:$0x1] =	wrdreg $0xFFFFFFFF  }
0xa7: {  	s28 =	simm.s32 $_size_execute0_lowered;
	s3 =	sadd.s32 s3, s5;
	[dreg:$0x0] =	wrdreg $0x0  }
0xa8: {  	s5 =	sshll.u32 s28, $0x1;
	[dreg:$0x2] =	wrdreg s3  }
0xa9: {  	[dreg:$0x3] =	wrdreg s5  }
0xaa: {  	[dreg:$0x4] =	wrdreg $0xC0  }
0xab: {  	_ =	task [dreg:s7], $0x5FFFF  }
0xac: {  	[dreg:$0x1] =	wrdreg $0xFFFFFFFF  }
0xad: {  	[dreg:$0x0] =	wrdreg $0x60  }
0xae: {  	[dreg:$0x2] =	wrdreg s24  }
0xaf: {  	[dreg:$0x3] =	wrdreg s2  }
0xb0: {  	[dreg:$0x4] =	wrdreg $0x9  }
0xb1: {  	_ =	task.clear_ibuf [dreg:s7], $0x5FFFF;
	_ =	strace $0x90000046  }
0xb2: {  	s29 =	simm.s32 $0x9;
	_ =	strace $0x80000048  }
0xb3: {  	_ =	swait.ge [sflag:s29], $0x1  }
0xb4: {  	[sflag:s29] =	ssyncadd.s32 $0xFFFFFFFF  }
0xb5: {  	_ =	strace $0x90000048  }
0xb6: {  	_ =	sfence  }
0xb7: {  	s30 =	sld [smem:$0x0];
	_ =	sdelay $0x2  }
0xb8: {  	s31 =	sshll.u32 s1, $0xD;
	s1 =	sshrl.u32 s1, $0x2  }
0xb9: {  	s3 =	sand.u32 $0x4000, s31;
	s1 =	sadd.s32 s1, s30  }
0xba: {  	s0 =	sor.u32 s3, s0;
	s1 =	sshll.u32 s1, $0x11  }
0xbb: {  	s0 =	sor.u32 s1, s0  }
0xbc: {  	s0 =	sadd.s32 $0x8F2B, s0  }
0xbd: {  	[sflag:s0] =	ssyncadd.remote.s32 $0x1  }
0xbe: {  	_ =	sfence.sel $0xFFFF  }
0xbf: {  	[dreg:$0x0] =	wrdreg $0xFFFFFFFF;
	(pc) =	sbr.abs _section_cstart, $3  }
0xc0: {  	[dreg:$0x1] =	wrdreg $0xFFFFFFFF  }
0xc1: {  	_ =	task.clear_ibuf [dreg:s7], $0x2FFFF;
	_ =	strace $0x9FFFFFFF  }
0xc2: {  	(tm) =	ssettm $0x7FFFFFFF  }
0xc3: {  	_ =	shalt  }
tec
execute0_lowered:
.L_overlay_start_1:
0x0: {  	(tag) =	ssettag $0x1  }
0x1: {  	s0 =	srdreg.scid  }
0x2: {  	s3 =	rddreg [dreg:$0x0];
	s4 =	sand.u32 $0x1, s0  }
0x3: {  	s5 =	rddreg [dreg:$0x1];
	s1 =	stileid.u32;
	s2 =	sshll.u32 s4, $0x4  }
0x4: {  	s0 =	rddreg [dreg:$0x2];
	s6 =	sor.u32 s1, s2  }
0x5: {  	s4 =	ssub.s32 $0x2, s4;
	s2 =	simm.s32 $0x0;
	s7 =	smul.u32 $0x500, s6  }
0x6: {  	s8 =	sshrl.u32 s4, $0x1;
	[smem:$0x7FF] =	sst s2;
	s6 =	smul.u32 $0x4F0, s6  }
0x7: {  	s31 =	ssub.s32 s4, s8;
	s8 =	simm.s32 $0x0;
	_ =	strace $0x80000047  }
0x8: {  	s3 =	sadd.s32 s7, s3;
	s4 =	sadd.s32 s5, s6;
	s5 =	smax.u32 s31, $0x1  }
0x9: {  	v0 =	vimm.f32 $0.0e+00;
	v1 =	vimm.f32 $1.000000000e+00;
	s6 =	simm.s32 $0x1;
	s7 =	simm.s32 $0x2800;
	s3 =	sadd.s32 $0x1C00, s3  }
.LBB2_1:
0xa: {  	[tilespmem:s2], [sflag:$0x1] =	stream.linear.gather [hbm4b:s3+s2], $0x2800, $0x38;
	[tilespmem:$0x4F80] =	vst v63  }
0xb: {  	_ =	swait.ge [sflag:s6], $0x2800  }
0xc: {  	[sflag:s6] =	ssyncset.done $0x0  }
0xd: {  	s9 =	simm.s32 $0x0;
	[sflag:s6] =	ssyncadd.s32 $0xFFFFD800  }
.LBB2_2:
0xe: {  	p0 =	sne.s32 s9, $0x9DC0  }
.Ltmp0:
0xf: {  	_ = 	snop;
	(pc) =	sbr.rel @p0 .LBB2_2-.Ltmp0, $3  }
0x10: {  	_ =	sdelay $0x1  }
0x11: {  	s10 =	sshra.s32 s9, $0x2  }
0x12: {  	s9 =	sadd.s32 $0x40, s9;
	[tilespmem:s10+$0x2800] =	vst v0  }
0x13: {  	s10 =	simm.s32 $0x0;
	s9 =	simm.s32 $0x40  }
.LBB2_4:
0x14: {  	p0 =	sne.s32 s9, $0x9FC0;
	v2 =	vld [tilespmem:s10+$0x0];
	_ =	sdelay $0x3  }
.Ltmp1:
0x15: {  	(pc) =	sbr.rel @p0 .LBB2_4-.Ltmp1, $2  }
0x16: {  	_ =	sdelay $0x2  }
0x17: {  	s10 =	sshra.s32 s9, $0x2;
	s9 =	sadd.s32 $0x40, s9;
	[tilespmem:v2+s7+$0x0] =	vst.idx.add.f32.msk $0xffff, v1  }
0x18: {  	v2 =	vld [tilespmem:s10+$0x0];
	_ =	sdelay $0x5  }
0x19: {  	s8 =	sadd.s32 $0x1, s8  }
0x1a: {  	p0 =	sne.s32 s8, s5  }
.Ltmp2:
0x1b: {  	[tilespmem:v2+s7+$0x0] =	vst.idx.add.f32.msk $0xffff, v1;
	(pc) =	sbr.rel @p0 .LBB2_1-.Ltmp2, $4  }
0x1c: {  	[hbm4b:s4+s2] =	stream.linear.scatter [tilespmem:s7], [sflag:$0x1], $0x2780, $0x38;
	[tilespmem:$0x4F80] =	vst v63  }
0x1d: {  	_ =	swait.ge [sflag:s6], $0x2780  }
0x1e: {  	[sflag:s6] =	ssyncset.done $0x0  }
0x1f: {  	[sflag:s6] =	ssyncadd.s32 $0xFFFFD880  }
0x20: {  	_ =	sfence.sel $0x180000  }
0x21: {  	[bflag:$0x0] =	sbarrier.arrive $0xFFFF  }
0x22: {  	p0 =	sne.s32 s1, $0x0;
	_ =	strace $0x90000047  }
0x23: {  	s0 =	sadd.s32 @!p0 $0x100000, s0;
	[bflag:$0x2] =	sbarrier.arrive $0xFFFF  }
0x24: {  	[sflag:s0] =	ssyncadd.tile.s32 @!p0 $0x1;
	_ =	shalt  }
.Lfunc_end2:
_tile_overlayer_lowered:
.L_overlay_start_2:
0x25: {  	(tag) =	ssettag $0x2  }
0x26: {  	s0 =	rddreg [dreg:$0x0];
	s2 =	stileid.u32  }
0x27: {  	s1 =	rddreg [dreg:$0x1];
	p0 =	sne.s32 s2, $0x0  }
0x28: {  	s3 =	rddreg [dreg:$0x2];
	[bflag:$0x3] =	sbarrier.arrive $0xFFFF;
	s2 =	simm.s32 @!p0 $0x1C01  }
0x29: {  	[timem:s3], [sflag:s2] =	dma.local @!p0 [hbm:s0], s1  }
0x2a: {  	s0 =	simm.s32 @!p0 $0x1  }
0x2b: {  	_ =	swait.ge @!p0 [sflag:s0], s1  }
0x2c: {  	s1 =	ssub.s32 @!p0 $0x0, s1;
	[sflag:s0] =	ssyncset.done @!p0 $0x0  }
0x2d: {  	[sflag:s0] =	ssyncadd.s32 @!p0 s1  }
0x2e: {  	[bflag:$0x3] =	sbarrier.arrive $0xFFFF  }
0x2f: {  	_ =	shalt  }

</sc_bundles>
